<compile_context>
chip_gen: v7x
topology: tpu7x:2x2x1
jax: 0.10.2.dev20260603
libtpu: 0.0.44.dev20260713+nightly
codegen_flags: <defaults>
</compile_context>

<pallas_src>
import functools

import jax
import jax.numpy as jnp
from jax import lax
from jax.experimental import pallas as pl
from jax.experimental.pallas import tpu as pltpu
from jax.experimental.pallas import tpu_sc as plsc

N_NODES = 100000
IN_DIM = 128
HID = 32
N_EDGES = 1600000


_ROW_BLK = 2000


def _mlp_body(x_ref, w1_ref, b1_ref, g1_ref, be1_ref, w2_ref, b2_ref,
              g2_ref, be2_ref, out_ref, out16_ref):
    h = jnp.dot(x_ref[...], w1_ref[...], preferred_element_type=jnp.float32)
    h = h + b1_ref[...]
    mu = jnp.mean(h, axis=-1, keepdims=True)
    var = jnp.mean((h - mu) ** 2, axis=-1, keepdims=True)
    h = (h - mu) / jnp.sqrt(var + 1e-5) * g1_ref[...] + be1_ref[...]
    h = jnp.maximum(h, 0.0)
    h = jnp.dot(h, w2_ref[...], preferred_element_type=jnp.float32)
    h = h + b2_ref[...]
    mu = jnp.mean(h, axis=-1, keepdims=True)
    var = jnp.mean((h - mu) ** 2, axis=-1, keepdims=True)
    h = (h - mu) / jnp.sqrt(var + 1e-5) * g2_ref[...] + be2_ref[...]
    h = jnp.maximum(h, 0.0)
    out_ref[...] = h
    out16_ref[...] = h.astype(jnp.bfloat16)


def _mlp(x, W1, b1, g1, be1, W2, b2, g2, be2):
    n = x.shape[0]
    grid = (n // _ROW_BLK,)
    full = lambda shape: pl.BlockSpec(shape, lambda i: (0, 0))
    return pl.pallas_call(
        _mlp_body,
        grid=grid,
        in_specs=[
            pl.BlockSpec((_ROW_BLK, IN_DIM), lambda i: (i, 0)),
            full((IN_DIM, HID)),
            full((1, HID)), full((1, HID)), full((1, HID)),
            full((HID, HID)),
            full((1, HID)), full((1, HID)), full((1, HID)),
        ],
        out_specs=[pl.BlockSpec((_ROW_BLK, HID), lambda i: (i, 0)),
                   pl.BlockSpec((_ROW_BLK, HID), lambda i: (i, 0))],
        out_shape=[jax.ShapeDtypeStruct((n, HID), jnp.float32),
                   jax.ShapeDtypeStruct((n, HID), jnp.bfloat16)],
    )(x, W1, b1.reshape(1, HID), g1.reshape(1, HID), be1.reshape(1, HID),
      W2, b2.reshape(1, HID), g2.reshape(1, HID), be2.reshape(1, HID))



def _combine_body(h_ref, a0_ref, a1_ref, out_ref):
    out_ref[...] = (h_ref[...]
                    + a0_ref[...].astype(jnp.float32)
                    + a1_ref[...].astype(jnp.float32))


def _combine(h, a0, a1):
    n = h.shape[0]
    spec = pl.BlockSpec((_ROW_BLK, HID), lambda i: (i, 0))
    return pl.pallas_call(
        _combine_body,
        grid=(n // _ROW_BLK,),
        in_specs=[spec, spec, spec],
        out_specs=spec,
        out_shape=jax.ShapeDtypeStruct((n, HID), jnp.float32),
    )(h, a0, a1)



_NC = 2
_NS = 16
_NW = _NC * _NS
_DUMMY = N_NODES
_K = 512
_R = _K // 128
_E_W = -(-N_EDGES // (_NW * 2 * _K)) * 2 * _K
_E_PAD = _E_W * _NW
_CHUNKS = _E_W // _K
_ROWS_PT = N_NODES // _NS
_ZROWS = 512


@functools.cache
def _make_aggregate():
    mesh = plsc.VectorSubcoreMesh(core_axis_name="c", subcore_axis_name="s")
    return functools.partial(
        pl.kernel,
        mesh=mesh,
        out_type=[jax.ShapeDtypeStruct((N_NODES, HID), jnp.bfloat16),
                  jax.ShapeDtypeStruct((N_NODES, HID), jnp.bfloat16)],
        scratch_types=[
            pltpu.VMEM((2, _R, 128), jnp.int32),
            pltpu.VMEM((2, _R, 128), jnp.int32),
            pltpu.VMEM((2, _K, HID), jnp.bfloat16),
            pltpu.VMEM_SHARED((N_NODES + 8, HID), jnp.bfloat16),
            pltpu.SemaphoreType.DMA,
            pltpu.SemaphoreType.DMA,
            pltpu.SemaphoreType.DMA,
            pltpu.SemaphoreType.DMA,
            pltpu.SemaphoreType.DMA,
        ],
        compiler_params=pltpu.CompilerParams(use_tc_tiling_on_sc=False),
    )(_aggregate_body)


def _aggregate_body(h16_hbm, row_hbm, col_hbm, out0_hbm, out1_hbm,
                    row_v, col_v, rows_v, acc,
                    sem_i0, sem_i1, sem_g, sem_s0, sem_s1):
    c = lax.axis_index("c")
    s = lax.axis_index("s")
    sem_i = (sem_i0, sem_i1)
    sem_s = (sem_s0, sem_s1)

    zbuf = rows_v.at[0]

    def _zrow(r, carry):
        zbuf[r] = jnp.zeros((HID,), jnp.bfloat16)
        return carry

    lax.fori_loop(0, _ZROWS, _zrow, 0)
    for z in range(_ROWS_PT // _ZROWS):
        pltpu.sync_copy(zbuf,
                        acc.at[pl.ds(s * _ROWS_PT + z * _ZROWS, _ZROWS)])
    rem = _ROWS_PT - (_ROWS_PT // _ZROWS) * _ZROWS
    if rem:
        pltpu.sync_copy(
            zbuf.at[pl.ds(0, rem)],
            acc.at[pl.ds(s * _ROWS_PT + (_ROWS_PT // _ZROWS) * _ZROWS, rem)])

    @pl.when(s == 0)
    def _zero_dummy():
        pltpu.sync_copy(zbuf.at[pl.ds(0, 8)], acc.at[pl.ds(N_NODES, 8)])

    plsc.subcore_barrier()

    w = c * _NS + s
    row0 = w * (_E_W // 128)

    def issue_idx(b, i):
        r0 = row0 + i * _R
        pltpu.async_copy(row_hbm.at[pl.ds(r0, _R)], row_v.at[b], sem_i[b])
        pltpu.async_copy(col_hbm.at[pl.ds(r0, _R)], col_v.at[b], sem_i[b])

    def wait_idx(b):
        pltpu.make_async_copy(row_hbm.at[pl.ds(row0, _R)], row_v.at[b],
                              sem_i[b]).wait()
        pltpu.make_async_copy(col_hbm.at[pl.ds(row0, _R)], col_v.at[b],
                              sem_i[b]).wait()

    def wait_scatter(b):
        for jr in range(_R):
            pltpu.make_async_copy(rows_v.at[b, pl.ds(jr * 128, 128)],
                                  acc.at[row_v.at[b, jr]], sem_s[b]).wait()

    def issue_scatter(b):
        for jr in range(_R):
            pltpu.async_copy(rows_v.at[b, pl.ds(jr * 128, 128)],
                             acc.at[row_v.at[b, jr]], sem_s[b], add=True)

    issue_idx(0, 0)

    def chunk_pair(j, carry):
        for b in range(2):
            i = 2 * j + b
            wait_idx(b)
            copies = [
                pltpu.async_copy(h16_hbm.at[col_v.at[b, jr]],
                                 rows_v.at[b, pl.ds(jr * 128, 128)], sem_g)
                for jr in range(_R)
            ]
            for cp in copies:
                cp.wait()

            @pl.when(i >= 1)
            def _drain_prev():
                wait_scatter(1 - b)

            issue_scatter(b)

            @pl.when(i + 1 < _CHUNKS)
            def _prefetch():
                issue_idx(1 - b, i + 1)

        return carry

    lax.fori_loop(0, _CHUNKS // 2, chunk_pair, 0)
    wait_scatter(1)
    plsc.subcore_barrier()

    @pl.when(c == 0)
    def _write0():
        pltpu.sync_copy(acc.at[pl.ds(s * _ROWS_PT, _ROWS_PT)],
                        out0_hbm.at[pl.ds(s * _ROWS_PT, _ROWS_PT)])

    @pl.when(c == 1)
    def _write1():
        pltpu.sync_copy(acc.at[pl.ds(s * _ROWS_PT, _ROWS_PT)],
                        out1_hbm.at[pl.ds(s * _ROWS_PT, _ROWS_PT)])


def kernel(x, edge_index, W1, b1, g1, be1, W2, b2, g2, be2):
    h, h16 = _mlp(x, W1, b1, g1, be1, W2, b2, g2, be2)
    row = edge_index[0].astype(jnp.int32)
    col = edge_index[1].astype(jnp.int32)
    pad = _E_PAD - N_EDGES
    row = jnp.pad(row, (0, pad), constant_values=_DUMMY)
    col = jnp.pad(col, (0, pad), constant_values=0)
    row2d = row.reshape(_E_PAD // 128, 128)
    col2d = col.reshape(_E_PAD // 128, 128)
    a0, a1 = _make_aggregate()(h16, row2d, col2d)
    return _combine(h, a0, a1)

# --- scband reference (transcript-rebuilt; emitter-appended) ---
"""Pipeline reference for scband-custom-gcn-44220983279747 (READ-ONLY COPY).

The authoritative reference and input builder live on the scoring server;
editing this copy changes nothing except your own understanding.
"""

import jax, jax.numpy as jnp
import numpy as np


def _layernorm(h, gamma, beta, eps=1e-5):
    mu = jnp.mean(h, axis=-1, keepdims=True)
    var = jnp.var(h, axis=-1, keepdims=True)
    return (h - mu) / jnp.sqrt(var + eps) * gamma + beta


def setup_inputs(seed: int = 0) -> dict:
    key = jax.random.key(seed)
    ks = jax.random.split(key, 8)
    n_nodes, n_edges = 100000, 1600000
    input_dim, hidden_dim = 128, 32
    x = jax.random.normal(ks[0], (n_nodes, input_dim), dtype=jnp.float32)
    edge_index = jax.random.randint(ks[1], (2, n_edges), 0, n_nodes, dtype=jnp.int64)
    W1 = jax.random.normal(ks[2], (input_dim, hidden_dim), dtype=jnp.float32) * (1.0 / np.sqrt(input_dim))
    b1 = jnp.zeros((hidden_dim,), dtype=jnp.float32)
    g1 = jnp.ones((hidden_dim,), dtype=jnp.float32)
    be1 = jnp.zeros((hidden_dim,), dtype=jnp.float32)
    W2 = jax.random.normal(ks[3], (hidden_dim, hidden_dim), dtype=jnp.float32) * (1.0 / np.sqrt(hidden_dim))
    b2 = jnp.zeros((hidden_dim,), dtype=jnp.float32)
    g2 = jnp.ones((hidden_dim,), dtype=jnp.float32)
    be2 = jnp.zeros((hidden_dim,), dtype=jnp.float32)
    return {"x": x, "edge_index": edge_index, "W1": W1, "b1": b1, "g1": g1, "be1": be1, "W2": W2, "b2": b2, "g2": g2, "be2": be2}


def reference(x, edge_index, W1, b1, g1, be1, W2, b2, g2, be2):
    h = x @ W1 + b1
    h = _layernorm(h, g1, be1)
    h = jax.nn.relu(h)
    h = h @ W2 + b2
    h = _layernorm(h, g2, be2)
    h = jax.nn.relu(h)
    row = edge_index[0]
    col = edge_index[1]
    aggr = jnp.zeros_like(h).at[row].add(h[col])
    return h + aggr

if __name__ == "__main__":
    import jax
    _d = setup_inputs()
    print(jax.jit(kernel)(*tuple(_d.values())))

</pallas_src>

<mosaic_0001>
#map = affine_map<(d0, d1) -> (0, 0)>
module attributes {stable_mosaic.version = 14 : i64} {
  func.func @_aggregate_body(%arg0: i32, %arg1: i32, %arg2: memref<100000x32xbf16, #tpu.memory_space<hbm>>, %arg3: memref<12544x128xi32, #tpu.memory_space<hbm>>, %arg4: memref<12544x128xi32, #tpu.memory_space<hbm>>, %arg5: memref<100000x32xbf16, #tpu.memory_space<hbm>>, %arg6: memref<100000x32xbf16, #tpu.memory_space<hbm>>, %arg7: memref<2x4x128xi32, #tpu.memory_space<vmem>>, %arg8: memref<2x4x128xi32, #tpu.memory_space<vmem>>, %arg9: memref<2x512x32xbf16, #tpu.memory_space<vmem>>, %arg10: memref<100008x32xbf16, #tpu.memory_space<vmem_shared>>, %arg11: memref<!tpu.dma_semaphore, #tpu.memory_space<semaphore_mem>>, %arg12: memref<!tpu.dma_semaphore, #tpu.memory_space<semaphore_mem>>, %arg13: memref<!tpu.dma_semaphore, #tpu.memory_space<semaphore_mem>>, %arg14: memref<!tpu.dma_semaphore, #tpu.memory_space<semaphore_mem>>, %arg15: memref<!tpu.dma_semaphore, #tpu.memory_space<semaphore_mem>>) attributes {dimension_semantics = [#tpu.dimension_semantics<core_parallel>, #tpu.dimension_semantics<subcore_parallel>], iteration_bounds = array<i64: 2, 16>, scalar_prefetch = 0 : i64, scratch_operands = 9 : i64, tpu.core_type = #tpu.core_type<sc_vector_subcore>, window_params = [{transform_indices = #map}, {transform_indices = #map}, {transform_indices = #map}, {transform_indices = #map}, {transform_indices = #map}]} {
    %scan3A = arith.constant 0 : i32
    %scan3A_0 = arith.constant 0 : i32
    %scan3A_1 = arith.constant 0 : i32
    %scan3A_2 = arith.constant 512 : i32
    %scan3A_3 = arith.addi %scan3A_1, %scan3A_2 : i32
    %scan3A_4 = arith.constant 1 : i32
    scf.for %scan3A_171 = %scan3A_1 to %scan3A_3 step %scan3A_4  : i32 {
      %broadcast_in_dim3A = arith.constant 0.000000e+00 : bf16
      %broadcast_in_dim3A_172 = vector.broadcast %broadcast_in_dim3A : bf16 to vector<32xbf16>
      %swap3A = arith.constant 0 : i32
      %swap3A_173 = arith.constant 0 : i32
      %swap3A_174 = tpu.memref_slice %arg9[%scan3A_0, %swap3A, %swap3A_173] : memref<2x512x32xbf16, #tpu.memory_space<vmem>> -> memref<1x512x32xbf16, #tpu.memory_space<vmem>>
      %swap3A_175 = tpu.memref_squeeze %swap3A_174 : memref<1x512x32xbf16, #tpu.memory_space<vmem>> -> memref<512x32xbf16, #tpu.memory_space<vmem>>
      %swap3A_176 = arith.index_cast %scan3A_171 : i32 to index
      %swap3A_177 = arith.constant 0 : index
      %swap3A_178 = tpu.vector_load %swap3A_175[%swap3A_176, %swap3A_177] {strides = array<i32>} : memref<512x32xbf16, #tpu.memory_space<vmem>>, vector<1x32xbf16>,
      %swap3A_179 = vector.shape_cast %swap3A_178 : vector<1x32xbf16> to vector<32xbf16>
      %swap3A_180 = vector.shape_cast %broadcast_in_dim3A_172 : vector<32xbf16> to vector<1x32xbf16>
      tpu.vector_store %swap3A_175[%swap3A_176, %swap3A_177], %swap3A_180 {strides = array<i32>} : memref<512x32xbf16, #tpu.memory_space<vmem>>, vector<1x32xbf16>,
    }
    %scan3A_5 = arith.constant 512 : i32
    %mul3A = arith.constant 6250 : i32
    %mul3A_6 = arith.muli %arg1, %mul3A : i32
    %add3A = arith.constant 0 : i32
    %add3A_7 = arith.addi %mul3A_6, %add3A : i32
    %run_scoped3A = arith.constant 0 : i32
    "tpu.region"() ({
      %run_scoped3A_171 = tpu.sem_alloc : memref<!tpu.dma_semaphore, #tpu.memory_space<semaphore_mem>>
      %dma_start3A_172 = arith.constant 0 : i32
      %dma_start3A_173 = arith.constant 0 : i32
      %dma_start3A_174 = tpu.memref_slice %arg9[%run_scoped3A, %dma_start3A_172, %dma_start3A_173] : memref<2x512x32xbf16, #tpu.memory_space<vmem>> -> memref<1x512x32xbf16, #tpu.memory_space<vmem>>
      %dma_start3A_175 = tpu.memref_squeeze %dma_start3A_174 : memref<1x512x32xbf16, #tpu.memory_space<vmem>> -> memref<512x32xbf16, #tpu.memory_space<vmem>>
      %dma_start3A_176 = arith.constant 0 : i32
      %dma_start3A_177 = tpu.memref_slice %arg10[%add3A_7, %dma_start3A_176] : memref<100008x32xbf16, #tpu.memory_space<vmem_shared>> -> memref<512x32xbf16, #tpu.memory_space<vmem_shared>>
      %dma_start3A_178 = arith.constant 0 : i32
      %dma_start3A_179 = tpu.memref_slice %arg10[%add3A_7, %dma_start3A_178] : memref<100008x32xbf16, #tpu.memory_space<vmem_shared>> -> memref<512x32xbf16, #tpu.memory_space<vmem_shared>>
      %dma_start3A_180 = arith.constant 0 : i32
      %dma_start3A_181 = arith.constant 0 : i32
      %dma_start3A_182 = tpu.memref_slice %arg9[%run_scoped3A, %dma_start3A_180, %dma_start3A_181] : memref<2x512x32xbf16, #tpu.memory_space<vmem>> -> memref<1x512x32xbf16, #tpu.memory_space<vmem>>
      %dma_start3A_183 = tpu.memref_squeeze %dma_start3A_182 : memref<1x512x32xbf16, #tpu.memory_space<vmem>> -> memref<512x32xbf16, #tpu.memory_space<vmem>>
      tpu.enqueue_dma source(%dma_start3A_183 : memref<512x32xbf16, #tpu.memory_space<vmem>>) target(%dma_start3A_179 : memref<512x32xbf16, #tpu.memory_space<vmem_shared>>) target_semaphore(%run_scoped3A_171 : memref<!tpu.dma_semaphore, #tpu.memory_space<semaphore_mem>>)
      %dma_wait3A_184 = arith.constant 0 : i32
      %dma_wait3A_185 = arith.constant 0 : i32
      %dma_wait3A_186 = tpu.memref_slice %arg9[%run_scoped3A, %dma_wait3A_184, %dma_wait3A_185] : memref<2x512x32xbf16, #tpu.memory_space<vmem>> -> memref<1x512x32xbf16, #tpu.memory_space<vmem>>
      %dma_wait3A_187 = tpu.memref_squeeze %dma_wait3A_186 : memref<1x512x32xbf16, #tpu.memory_space<vmem>> -> memref<512x32xbf16, #tpu.memory_space<vmem>>
      %dma_wait3A_188 = arith.constant 0 : i32
      %dma_wait3A_189 = tpu.memref_slice %arg10[%add3A_7, %dma_wait3A_188] : memref<100008x32xbf16, #tpu.memory_space<vmem_shared>> -> memref<512x32xbf16, #tpu.memory_space<vmem_shared>>
      %dma_wait3A_190 = arith.constant 0 : i32
      %dma_wait3A_191 = tpu.memref_slice %arg10[%add3A_7, %dma_wait3A_190] : memref<100008x32xbf16, #tpu.memory_space<vmem_shared>> -> memref<512x32xbf16, #tpu.memory_space<vmem_shared>>
      %dma_wait3A_192 = arith.constant 0 : i32
      %dma_wait3A_193 = arith.constant 0 : i32
      %dma_wait3A_194 = tpu.memref_slice %arg9[%run_scoped3A, %dma_wait3A_192, %dma_wait3A_193] : memref<2x512x32xbf16, #tpu.memory_space<vmem>> -> memref<1x512x32xbf16, #tpu.memory_space<vmem>>
      %dma_wait3A_195 = tpu.memref_squeeze %dma_wait3A_194 : memref<1x512x32xbf16, #tpu.memory_space<vmem>> -> memref<512x32xbf16, #tpu.memory_space<vmem>>
      tpu.wait_dma2 semaphore(%run_scoped3A_171 : memref<!tpu.dma_semaphore, #tpu.memory_space<semaphore_mem>>) src(%dma_wait3A_195 : memref<512x32xbf16, #tpu.memory_space<vmem>>) dst(%dma_wait3A_191 : memref<512x32xbf16, #tpu.memory_space<vmem_shared>>)
      tpu.yield
    }) : () -> ()
    %mul3A_8 = arith.constant 6250 : i32
    %mul3A_9 = arith.muli %arg1, %mul3A_8 : i32
    %add3A_10 = arith.constant 512 : i32
    %add3A_11 = arith.addi %mul3A_9, %add3A_10 : i32
    %run_scoped3A_12 = arith.constant 0 : i32
    "tpu.region"() ({
      %run_scoped3A_171 = tpu.sem_alloc : memref<!tpu.dma_semaphore, #tpu.memory_space<semaphore_mem>>
      %dma_start3A_172 = arith.constant 0 : i32
      %dma_start3A_173 = arith.constant 0 : i32
      %dma_start3A_174 = tpu.memref_slice %arg9[%run_scoped3A_12, %dma_start3A_172, %dma_start3A_173] : memref<2x512x32xbf16, #tpu.memory_space<vmem>> -> memref<1x512x32xbf16, #tpu.memory_space<vmem>>
      %dma_start3A_175 = tpu.memref_squeeze %dma_start3A_174 : memref<1x512x32xbf16, #tpu.memory_space<vmem>> -> memref<512x32xbf16, #tpu.memory_space<vmem>>
      %dma_start3A_176 = arith.constant 0 : i32
      %dma_start3A_177 = tpu.memref_slice %arg10[%add3A_11, %dma_start3A_176] : memref<100008x32xbf16, #tpu.memory_space<vmem_shared>> -> memref<512x32xbf16, #tpu.memory_space<vmem_shared>>
      %dma_start3A_178 = arith.constant 0 : i32
      %dma_start3A_179 = tpu.memref_slice %arg10[%add3A_11, %dma_start3A_178] : memref<100008x32xbf16, #tpu.memory_space<vmem_shared>> -> memref<512x32xbf16, #tpu.memory_space<vmem_shared>>
      %dma_start3A_180 = arith.constant 0 : i32
      %dma_start3A_181 = arith.constant 0 : i32
      %dma_start3A_182 = tpu.memref_slice %arg9[%run_scoped3A_12, %dma_start3A_180, %dma_start3A_181] : memref<2x512x32xbf16, #tpu.memory_space<vmem>> -> memref<1x512x32xbf16, #tpu.memory_space<vmem>>
      %dma_start3A_183 = tpu.memref_squeeze %dma_start3A_182 : memref<1x512x32xbf16, #tpu.memory_space<vmem>> -> memref<512x32xbf16, #tpu.memory_space<vmem>>
      tpu.enqueue_dma source(%dma_start3A_183 : memref<512x32xbf16, #tpu.memory_space<vmem>>) target(%dma_start3A_179 : memref<512x32xbf16, #tpu.memory_space<vmem_shared>>) target_semaphore(%run_scoped3A_171 : memref<!tpu.dma_semaphore, #tpu.memory_space<semaphore_mem>>)
      %dma_wait3A_184 = arith.constant 0 : i32
      %dma_wait3A_185 = arith.constant 0 : i32
      %dma_wait3A_186 = tpu.memref_slice %arg9[%run_scoped3A_12, %dma_wait3A_184, %dma_wait3A_185] : memref<2x512x32xbf16, #tpu.memory_space<vmem>> -> memref<1x512x32xbf16, #tpu.memory_space<vmem>>
      %dma_wait3A_187 = tpu.memref_squeeze %dma_wait3A_186 : memref<1x512x32xbf16, #tpu.memory_space<vmem>> -> memref<512x32xbf16, #tpu.memory_space<vmem>>
      %dma_wait3A_188 = arith.constant 0 : i32
      %dma_wait3A_189 = tpu.memref_slice %arg10[%add3A_11, %dma_wait3A_188] : memref<100008x32xbf16, #tpu.memory_space<vmem_shared>> -> memref<512x32xbf16, #tpu.memory_space<vmem_shared>>
      %dma_wait3A_190 = arith.constant 0 : i32
      %dma_wait3A_191 = tpu.memref_slice %arg10[%add3A_11, %dma_wait3A_190] : memref<100008x32xbf16, #tpu.memory_space<vmem_shared>> -> memref<512x32xbf16, #tpu.memory_space<vmem_shared>>
      %dma_wait3A_192 = arith.constant 0 : i32
      %dma_wait3A_193 = arith.constant 0 : i32
      %dma_wait3A_194 = tpu.memref_slice %arg9[%run_scoped3A_12, %dma_wait3A_192, %dma_wait3A_193] : memref<2x512x32xbf16, #tpu.memory_space<vmem>> -> memref<1x512x32xbf16, #tpu.memory_space<vmem>>
      %dma_wait3A_195 = tpu.memref_squeeze %dma_wait3A_194 : memref<1x512x32xbf16, #tpu.memory_space<vmem>> -> memref<512x32xbf16, #tpu.memory_space<vmem>>
      tpu.wait_dma2 semaphore(%run_scoped3A_171 : memref<!tpu.dma_semaphore, #tpu.memory_space<semaphore_mem>>) src(%dma_wait3A_195 : memref<512x32xbf16, #tpu.memory_space<vmem>>) dst(%dma_wait3A_191 : memref<512x32xbf16, #tpu.memory_space<vmem_shared>>)
      tpu.yield
    }) : () -> ()
    %mul3A_13 = arith.constant 6250 : i32
    %mul3A_14 = arith.muli %arg1, %mul3A_13 : i32
    %add3A_15 = arith.constant 1024 : i32
    %add3A_16 = arith.addi %mul3A_14, %add3A_15 : i32
    %run_scoped3A_17 = arith.constant 0 : i32
    "tpu.region"() ({
      %run_scoped3A_171 = tpu.sem_alloc : memref<!tpu.dma_semaphore, #tpu.memory_space<semaphore_mem>>
      %dma_start3A_172 = arith.constant 0 : i32
      %dma_start3A_173 = arith.constant 0 : i32
      %dma_start3A_174 = tpu.memref_slice %arg9[%run_scoped3A_17, %dma_start3A_172, %dma_start3A_173] : memref<2x512x32xbf16, #tpu.memory_space<vmem>> -> memref<1x512x32xbf16, #tpu.memory_space<vmem>>
      %dma_start3A_175 = tpu.memref_squeeze %dma_start3A_174 : memref<1x512x32xbf16, #tpu.memory_space<vmem>> -> memref<512x32xbf16, #tpu.memory_space<vmem>>
      %dma_start3A_176 = arith.constant 0 : i32
      %dma_start3A_177 = tpu.memref_slice %arg10[%add3A_16, %dma_start3A_176] : memref<100008x32xbf16, #tpu.memory_space<vmem_shared>> -> memref<512x32xbf16, #tpu.memory_space<vmem_shared>>
      %dma_start3A_178 = arith.constant 0 : i32
      %dma_start3A_179 = tpu.memref_slice %arg10[%add3A_16, %dma_start3A_178] : memref<100008x32xbf16, #tpu.memory_space<vmem_shared>> -> memref<512x32xbf16, #tpu.memory_space<vmem_shared>>
      %dma_start3A_180 = arith.constant 0 : i32
      %dma_start3A_181 = arith.constant 0 : i32
      %dma_start3A_182 = tpu.memref_slice %arg9[%run_scoped3A_17, %dma_start3A_180, %dma_start3A_181] : memref<2x512x32xbf16, #tpu.memory_space<vmem>> -> memref<1x512x32xbf16, #tpu.memory_space<vmem>>
      %dma_start3A_183 = tpu.memref_squeeze %dma_start3A_182 : memref<1x512x32xbf16, #tpu.memory_space<vmem>> -> memref<512x32xbf16, #tpu.memory_space<vmem>>
      tpu.enqueue_dma source(%dma_start3A_183 : memref<512x32xbf16, #tpu.memory_space<vmem>>) target(%dma_start3A_179 : memref<512x32xbf16, #tpu.memory_space<vmem_shared>>) target_semaphore(%run_scoped3A_171 : memref<!tpu.dma_semaphore, #tpu.memory_space<semaphore_mem>>)
      %dma_wait3A_184 = arith.constant 0 : i32
      %dma_wait3A_185 = arith.constant 0 : i32
      %dma_wait3A_186 = tpu.memref_slice %arg9[%run_scoped3A_17, %dma_wait3A_184, %dma_wait3A_185] : memref<2x512x32xbf16, #tpu.memory_space<vmem>> -> memref<1x512x32xbf16, #tpu.memory_space<vmem>>
      %dma_wait3A_187 = tpu.memref_squeeze %dma_wait3A_186 : memref<1x512x32xbf16, #tpu.memory_space<vmem>> -> memref<512x32xbf16, #tpu.memory_space<vmem>>
      %dma_wait3A_188 = arith.constant 0 : i32
      %dma_wait3A_189 = tpu.memref_slice %arg10[%add3A_16, %dma_wait3A_188] : memref<100008x32xbf16, #tpu.memory_space<vmem_shared>> -> memref<512x32xbf16, #tpu.memory_space<vmem_shared>>
      %dma_wait3A_190 = arith.constant 0 : i32
      %dma_wait3A_191 = tpu.memref_slice %arg10[%add3A_16, %dma_wait3A_190] : memref<100008x32xbf16, #tpu.memory_space<vmem_shared>> -> memref<512x32xbf16, #tpu.memory_space<vmem_shared>>
      %dma_wait3A_192 = arith.constant 0 : i32
      %dma_wait3A_193 = arith.constant 0 : i32
      %dma_wait3A_194 = tpu.memref_slice %arg9[%run_scoped3A_17, %dma_wait3A_192, %dma_wait3A_193] : memref<2x512x32xbf16, #tpu.memory_space<vmem>> -> memref<1x512x32xbf16, #tpu.memory_space<vmem>>
      %dma_wait3A_195 = tpu.memref_squeeze %dma_wait3A_194 : memref<1x512x32xbf16, #tpu.memory_space<vmem>> -> memref<512x32xbf16, #tpu.memory_space<vmem>>
      tpu.wait_dma2 semaphore(%run_scoped3A_171 : memref<!tpu.dma_semaphore, #tpu.memory_space<semaphore_mem>>) src(%dma_wait3A_195 : memref<512x32xbf16, #tpu.memory_space<vmem>>) dst(%dma_wait3A_191 : memref<512x32xbf16, #tpu.memory_space<vmem_shared>>)
      tpu.yield
    }) : () -> ()
    %mul3A_18 = arith.constant 6250 : i32
    %mul3A_19 = arith.muli %arg1, %mul3A_18 : i32
    %add3A_20 = arith.constant 1536 : i32
    %add3A_21 = arith.addi %mul3A_19, %add3A_20 : i32
    %run_scoped3A_22 = arith.constant 0 : i32
    "tpu.region"() ({
      %run_scoped3A_171 = tpu.sem_alloc : memref<!tpu.dma_semaphore, #tpu.memory_space<semaphore_mem>>
      %dma_start3A_172 = arith.constant 0 : i32
      %dma_start3A_173 = arith.constant 0 : i32
      %dma_start3A_174 = tpu.memref_slice %arg9[%run_scoped3A_22, %dma_start3A_172, %dma_start3A_173] : memref<2x512x32xbf16, #tpu.memory_space<vmem>> -> memref<1x512x32xbf16, #tpu.memory_space<vmem>>
      %dma_start3A_175 = tpu.memref_squeeze %dma_start3A_174 : memref<1x512x32xbf16, #tpu.memory_space<vmem>> -> memref<512x32xbf16, #tpu.memory_space<vmem>>
      %dma_start3A_176 = arith.constant 0 : i32
      %dma_start3A_177 = tpu.memref_slice %arg10[%add3A_21, %dma_start3A_176] : memref<100008x32xbf16, #tpu.memory_space<vmem_shared>> -> memref<512x32xbf16, #tpu.memory_space<vmem_shared>>
      %dma_start3A_178 = arith.constant 0 : i32
      %dma_start3A_179 = tpu.memref_slice %arg10[%add3A_21, %dma_start3A_178] : memref<100008x32xbf16, #tpu.memory_space<vmem_shared>> -> memref<512x32xbf16, #tpu.memory_space<vmem_shared>>
      %dma_start3A_180 = arith.constant 0 : i32
      %dma_start3A_181 = arith.constant 0 : i32
      %dma_start3A_182 = tpu.memref_slice %arg9[%run_scoped3A_22, %dma_start3A_180, %dma_start3A_181] : memref<2x512x32xbf16, #tpu.memory_space<vmem>> -> memref<1x512x32xbf16, #tpu.memory_space<vmem>>
      %dma_start3A_183 = tpu.memref_squeeze %dma_start3A_182 : memref<1x512x32xbf16, #tpu.memory_space<vmem>> -> memref<512x32xbf16, #tpu.memory_space<vmem>>
      tpu.enqueue_dma source(%dma_start3A_183 : memref<512x32xbf16, #tpu.memory_space<vmem>>) target(%dma_start3A_179 : memref<512x32xbf16, #tpu.memory_space<vmem_shared>>) target_semaphore(%run_scoped3A_171 : memref<!tpu.dma_semaphore, #tpu.memory_space<semaphore_mem>>)
      %dma_wait3A_184 = arith.constant 0 : i32
      %dma_wait3A_185 = arith.constant 0 : i32
      %dma_wait3A_186 = tpu.memref_slice %arg9[%run_scoped3A_22, %dma_wait3A_184, %dma_wait3A_185] : memref<2x512x32xbf16, #tpu.memory_space<vmem>> -> memref<1x512x32xbf16, #tpu.memory_space<vmem>>
      %dma_wait3A_187 = tpu.memref_squeeze %dma_wait3A_186 : memref<1x512x32xbf16, #tpu.memory_space<vmem>> -> memref<512x32xbf16, #tpu.memory_space<vmem>>
      %dma_wait3A_188 = arith.constant 0 : i32
      %dma_wait3A_189 = tpu.memref_slice %arg10[%add3A_21, %dma_wait3A_188] : memref<100008x32xbf16, #tpu.memory_space<vmem_shared>> -> memref<512x32xbf16, #tpu.memory_space<vmem_shared>>
      %dma_wait3A_190 = arith.constant 0 : i32
      %dma_wait3A_191 = tpu.memref_slice %arg10[%add3A_21, %dma_wait3A_190] : memref<100008x32xbf16, #tpu.memory_space<vmem_shared>> -> memref<512x32xbf16, #tpu.memory_space<vmem_shared>>
      %dma_wait3A_192 = arith.constant 0 : i32
      %dma_wait3A_193 = arith.constant 0 : i32
      %dma_wait3A_194 = tpu.memref_slice %arg9[%run_scoped3A_22, %dma_wait3A_192, %dma_wait3A_193] : memref<2x512x32xbf16, #tpu.memory_space<vmem>> -> memref<1x512x32xbf16, #tpu.memory_space<vmem>>
      %dma_wait3A_195 = tpu.memref_squeeze %dma_wait3A_194 : memref<1x512x32xbf16, #tpu.memory_space<vmem>> -> memref<512x32xbf16, #tpu.memory_space<vmem>>
      tpu.wait_dma2 semaphore(%run_scoped3A_171 : memref<!tpu.dma_semaphore, #tpu.memory_space<semaphore_mem>>) src(%dma_wait3A_195 : memref<512x32xbf16, #tpu.memory_space<vmem>>) dst(%dma_wait3A_191 : memref<512x32xbf16, #tpu.memory_space<vmem_shared>>)
      tpu.yield
    }) : () -> ()
    %mul3A_23 = arith.constant 6250 : i32
    %mul3A_24 = arith.muli %arg1, %mul3A_23 : i32
    %add3A_25 = arith.constant 2048 : i32
    %add3A_26 = arith.addi %mul3A_24, %add3A_25 : i32
    %run_scoped3A_27 = arith.constant 0 : i32
    "tpu.region"() ({
      %run_scoped3A_171 = tpu.sem_alloc : memref<!tpu.dma_semaphore, #tpu.memory_space<semaphore_mem>>
      %dma_start3A_172 = arith.constant 0 : i32
      %dma_start3A_173 = arith.constant 0 : i32
      %dma_start3A_174 = tpu.memref_slice %arg9[%run_scoped3A_27, %dma_start3A_172, %dma_start3A_173] : memref<2x512x32xbf16, #tpu.memory_space<vmem>> -> memref<1x512x32xbf16, #tpu.memory_space<vmem>>
      %dma_start3A_175 = tpu.memref_squeeze %dma_start3A_174 : memref<1x512x32xbf16, #tpu.memory_space<vmem>> -> memref<512x32xbf16, #tpu.memory_space<vmem>>
      %dma_start3A_176 = arith.constant 0 : i32
      %dma_start3A_177 = tpu.memref_slice %arg10[%add3A_26, %dma_start3A_176] : memref<100008x32xbf16, #tpu.memory_space<vmem_shared>> -> memref<512x32xbf16, #tpu.memory_space<vmem_shared>>
      %dma_start3A_178 = arith.constant 0 : i32
      %dma_start3A_179 = tpu.memref_slice %arg10[%add3A_26, %dma_start3A_178] : memref<100008x32xbf16, #tpu.memory_space<vmem_shared>> -> memref<512x32xbf16, #tpu.memory_space<vmem_shared>>
      %dma_start3A_180 = arith.constant 0 : i32
      %dma_start3A_181 = arith.constant 0 : i32
      %dma_start3A_182 = tpu.memref_slice %arg9[%run_scoped3A_27, %dma_start3A_180, %dma_start3A_181] : memref<2x512x32xbf16, #tpu.memory_space<vmem>> -> memref<1x512x32xbf16, #tpu.memory_space<vmem>>
      %dma_start3A_183 = tpu.memref_squeeze %dma_start3A_182 : memref<1x512x32xbf16, #tpu.memory_space<vmem>> -> memref<512x32xbf16, #tpu.memory_space<vmem>>
      tpu.enqueue_dma source(%dma_start3A_183 : memref<512x32xbf16, #tpu.memory_space<vmem>>) target(%dma_start3A_179 : memref<512x32xbf16, #tpu.memory_space<vmem_shared>>) target_semaphore(%run_scoped3A_171 : memref<!tpu.dma_semaphore, #tpu.memory_space<semaphore_mem>>)
      %dma_wait3A_184 = arith.constant 0 : i32
      %dma_wait3A_185 = arith.constant 0 : i32
      %dma_wait3A_186 = tpu.memref_slice %arg9[%run_scoped3A_27, %dma_wait3A_184, %dma_wait3A_185] : memref<2x512x32xbf16, #tpu.memory_space<vmem>> -> memref<1x512x32xbf16, #tpu.memory_space<vmem>>
      %dma_wait3A_187 = tpu.memref_squeeze %dma_wait3A_186 : memref<1x512x32xbf16, #tpu.memory_space<vmem>> -> memref<512x32xbf16, #tpu.memory_space<vmem>>
      %dma_wait3A_188 = arith.constant 0 : i32
      %dma_wait3A_189 = tpu.memref_slice %arg10[%add3A_26, %dma_wait3A_188] : memref<100008x32xbf16, #tpu.memory_space<vmem_shared>> -> memref<512x32xbf16, #tpu.memory_space<vmem_shared>>
      %dma_wait3A_190 = arith.constant 0 : i32
      %dma_wait3A_191 = tpu.memref_slice %arg10[%add3A_26, %dma_wait3A_190] : memref<100008x32xbf16, #tpu.memory_space<vmem_shared>> -> memref<512x32xbf16, #tpu.memory_space<vmem_shared>>
      %dma_wait3A_192 = arith.constant 0 : i32
      %dma_wait3A_193 = arith.constant 0 : i32
      %dma_wait3A_194 = tpu.memref_slice %arg9[%run_scoped3A_27, %dma_wait3A_192, %dma_wait3A_193] : memref<2x512x32xbf16, #tpu.memory_space<vmem>> -> memref<1x512x32xbf16, #tpu.memory_space<vmem>>
      %dma_wait3A_195 = tpu.memref_squeeze %dma_wait3A_194 : memref<1x512x32xbf16, #tpu.memory_space<vmem>> -> memref<512x32xbf16, #tpu.memory_space<vmem>>
      tpu.wait_dma2 semaphore(%run_scoped3A_171 : memref<!tpu.dma_semaphore, #tpu.memory_space<semaphore_mem>>) src(%dma_wait3A_195 : memref<512x32xbf16, #tpu.memory_space<vmem>>) dst(%dma_wait3A_191 : memref<512x32xbf16, #tpu.memory_space<vmem_shared>>)
      tpu.yield
    }) : () -> ()
    %mul3A_28 = arith.constant 6250 : i32
    %mul3A_29 = arith.muli %arg1, %mul3A_28 : i32
    %add3A_30 = arith.constant 2560 : i32
    %add3A_31 = arith.addi %mul3A_29, %add3A_30 : i32
    %run_scoped3A_32 = arith.constant 0 : i32
    "tpu.region"() ({
      %run_scoped3A_171 = tpu.sem_alloc : memref<!tpu.dma_semaphore, #tpu.memory_space<semaphore_mem>>
      %dma_start3A_172 = arith.constant 0 : i32
      %dma_start3A_173 = arith.constant 0 : i32
      %dma_start3A_174 = tpu.memref_slice %arg9[%run_scoped3A_32, %dma_start3A_172, %dma_start3A_173] : memref<2x512x32xbf16, #tpu.memory_space<vmem>> -> memref<1x512x32xbf16, #tpu.memory_space<vmem>>
      %dma_start3A_175 = tpu.memref_squeeze %dma_start3A_174 : memref<1x512x32xbf16, #tpu.memory_space<vmem>> -> memref<512x32xbf16, #tpu.memory_space<vmem>>
      %dma_start3A_176 = arith.constant 0 : i32
      %dma_start3A_177 = tpu.memref_slice %arg10[%add3A_31, %dma_start3A_176] : memref<100008x32xbf16, #tpu.memory_space<vmem_shared>> -> memref<512x32xbf16, #tpu.memory_space<vmem_shared>>
      %dma_start3A_178 = arith.constant 0 : i32
      %dma_start3A_179 = tpu.memref_slice %arg10[%add3A_31, %dma_start3A_178] : memref<100008x32xbf16, #tpu.memory_space<vmem_shared>> -> memref<512x32xbf16, #tpu.memory_space<vmem_shared>>
      %dma_start3A_180 = arith.constant 0 : i32
      %dma_start3A_181 = arith.constant 0 : i32
      %dma_start3A_182 = tpu.memref_slice %arg9[%run_scoped3A_32, %dma_start3A_180, %dma_start3A_181] : memref<2x512x32xbf16, #tpu.memory_space<vmem>> -> memref<1x512x32xbf16, #tpu.memory_space<vmem>>
      %dma_start3A_183 = tpu.memref_squeeze %dma_start3A_182 : memref<1x512x32xbf16, #tpu.memory_space<vmem>> -> memref<512x32xbf16, #tpu.memory_space<vmem>>
      tpu.enqueue_dma source(%dma_start3A_183 : memref<512x32xbf16, #tpu.memory_space<vmem>>) target(%dma_start3A_179 : memref<512x32xbf16, #tpu.memory_space<vmem_shared>>) target_semaphore(%run_scoped3A_171 : memref<!tpu.dma_semaphore, #tpu.memory_space<semaphore_mem>>)
      %dma_wait3A_184 = arith.constant 0 : i32
      %dma_wait3A_185 = arith.constant 0 : i32
      %dma_wait3A_186 = tpu.memref_slice %arg9[%run_scoped3A_32, %dma_wait3A_184, %dma_wait3A_185] : memref<2x512x32xbf16, #tpu.memory_space<vmem>> -> memref<1x512x32xbf16, #tpu.memory_space<vmem>>
      %dma_wait3A_187 = tpu.memref_squeeze %dma_wait3A_186 : memref<1x512x32xbf16, #tpu.memory_space<vmem>> -> memref<512x32xbf16, #tpu.memory_space<vmem>>
      %dma_wait3A_188 = arith.constant 0 : i32
      %dma_wait3A_189 = tpu.memref_slice %arg10[%add3A_31, %dma_wait3A_188] : memref<100008x32xbf16, #tpu.memory_space<vmem_shared>> -> memref<512x32xbf16, #tpu.memory_space<vmem_shared>>
      %dma_wait3A_190 = arith.constant 0 : i32
      %dma_wait3A_191 = tpu.memref_slice %arg10[%add3A_31, %dma_wait3A_190] : memref<100008x32xbf16, #tpu.memory_space<vmem_shared>> -> memref<512x32xbf16, #tpu.memory_space<vmem_shared>>
      %dma_wait3A_192 = arith.constant 0 : i32
      %dma_wait3A_193 = arith.constant 0 : i32
      %dma_wait3A_194 = tpu.memref_slice %arg9[%run_scoped3A_32, %dma_wait3A_192, %dma_wait3A_193] : memref<2x512x32xbf16, #tpu.memory_space<vmem>> -> memref<1x512x32xbf16, #tpu.memory_space<vmem>>
      %dma_wait3A_195 = tpu.memref_squeeze %dma_wait3A_194 : memref<1x512x32xbf16, #tpu.memory_space<vmem>> -> memref<512x32xbf16, #tpu.memory_space<vmem>>
      tpu.wait_dma2 semaphore(%run_scoped3A_171 : memref<!tpu.dma_semaphore, #tpu.memory_space<semaphore_mem>>) src(%dma_wait3A_195 : memref<512x32xbf16, #tpu.memory_space<vmem>>) dst(%dma_wait3A_191 : memref<512x32xbf16, #tpu.memory_space<vmem_shared>>)
      tpu.yield
    }) : () -> ()
    %mul3A_33 = arith.constant 6250 : i32
    %mul3A_34 = arith.muli %arg1, %mul3A_33 : i32
    %add3A_35 = arith.constant 3072 : i32
    %add3A_36 = arith.addi %mul3A_34, %add3A_35 : i32
    %run_scoped3A_37 = arith.constant 0 : i32
    "tpu.region"() ({
      %run_scoped3A_171 = tpu.sem_alloc : memref<!tpu.dma_semaphore, #tpu.memory_space<semaphore_mem>>
      %dma_start3A_172 = arith.constant 0 : i32
      %dma_start3A_173 = arith.constant 0 : i32
      %dma_start3A_174 = tpu.memref_slice %arg9[%run_scoped3A_37, %dma_start3A_172, %dma_start3A_173] : memref<2x512x32xbf16, #tpu.memory_space<vmem>> -> memref<1x512x32xbf16, #tpu.memory_space<vmem>>
      %dma_start3A_175 = tpu.memref_squeeze %dma_start3A_174 : memref<1x512x32xbf16, #tpu.memory_space<vmem>> -> memref<512x32xbf16, #tpu.memory_space<vmem>>
      %dma_start3A_176 = arith.constant 0 : i32
      %dma_start3A_177 = tpu.memref_slice %arg10[%add3A_36, %dma_start3A_176] : memref<100008x32xbf16, #tpu.memory_space<vmem_shared>> -> memref<512x32xbf16, #tpu.memory_space<vmem_shared>>
      %dma_start3A_178 = arith.constant 0 : i32
      %dma_start3A_179 = tpu.memref_slice %arg10[%add3A_36, %dma_start3A_178] : memref<100008x32xbf16, #tpu.memory_space<vmem_shared>> -> memref<512x32xbf16, #tpu.memory_space<vmem_shared>>
      %dma_start3A_180 = arith.constant 0 : i32
      %dma_start3A_181 = arith.constant 0 : i32
      %dma_start3A_182 = tpu.memref_slice %arg9[%run_scoped3A_37, %dma_start3A_180, %dma_start3A_181] : memref<2x512x32xbf16, #tpu.memory_space<vmem>> -> memref<1x512x32xbf16, #tpu.memory_space<vmem>>
      %dma_start3A_183 = tpu.memref_squeeze %dma_start3A_182 : memref<1x512x32xbf16, #tpu.memory_space<vmem>> -> memref<512x32xbf16, #tpu.memory_space<vmem>>
      tpu.enqueue_dma source(%dma_start3A_183 : memref<512x32xbf16, #tpu.memory_space<vmem>>) target(%dma_start3A_179 : memref<512x32xbf16, #tpu.memory_space<vmem_shared>>) target_semaphore(%run_scoped3A_171 : memref<!tpu.dma_semaphore, #tpu.memory_space<semaphore_mem>>)
      %dma_wait3A_184 = arith.constant 0 : i32
      %dma_wait3A_185 = arith.constant 0 : i32
      %dma_wait3A_186 = tpu.memref_slice %arg9[%run_scoped3A_37, %dma_wait3A_184, %dma_wait3A_185] : memref<2x512x32xbf16, #tpu.memory_space<vmem>> -> memref<1x512x32xbf16, #tpu.memory_space<vmem>>
      %dma_wait3A_187 = tpu.memref_squeeze %dma_wait3A_186 : memref<1x512x32xbf16, #tpu.memory_space<vmem>> -> memref<512x32xbf16, #tpu.memory_space<vmem>>
      %dma_wait3A_188 = arith.constant 0 : i32
      %dma_wait3A_189 = tpu.memref_slice %arg10[%add3A_36, %dma_wait3A_188] : memref<100008x32xbf16, #tpu.memory_space<vmem_shared>> -> memref<512x32xbf16, #tpu.memory_space<vmem_shared>>
      %dma_wait3A_190 = arith.constant 0 : i32
      %dma_wait3A_191 = tpu.memref_slice %arg10[%add3A_36, %dma_wait3A_190] : memref<100008x32xbf16, #tpu.memory_space<vmem_shared>> -> memref<512x32xbf16, #tpu.memory_space<vmem_shared>>
      %dma_wait3A_192 = arith.constant 0 : i32
      %dma_wait3A_193 = arith.constant 0 : i32
      %dma_wait3A_194 = tpu.memref_slice %arg9[%run_scoped3A_37, %dma_wait3A_192, %dma_wait3A_193] : memref<2x512x32xbf16, #tpu.memory_space<vmem>> -> memref<1x512x32xbf16, #tpu.memory_space<vmem>>
      %dma_wait3A_195 = tpu.memref_squeeze %dma_wait3A_194 : memref<1x512x32xbf16, #tpu.memory_space<vmem>> -> memref<512x32xbf16, #tpu.memory_space<vmem>>
      tpu.wait_dma2 semaphore(%run_scoped3A_171 : memref<!tpu.dma_semaphore, #tpu.memory_space<semaphore_mem>>) src(%dma_wait3A_195 : memref<512x32xbf16, #tpu.memory_space<vmem>>) dst(%dma_wait3A_191 : memref<512x32xbf16, #tpu.memory_space<vmem_shared>>)
      tpu.yield
    }) : () -> ()
    %mul3A_38 = arith.constant 6250 : i32
    %mul3A_39 = arith.muli %arg1, %mul3A_38 : i32
    %add3A_40 = arith.constant 3584 : i32
    %add3A_41 = arith.addi %mul3A_39, %add3A_40 : i32
    %run_scoped3A_42 = arith.constant 0 : i32
    "tpu.region"() ({
      %run_scoped3A_171 = tpu.sem_alloc : memref<!tpu.dma_semaphore, #tpu.memory_space<semaphore_mem>>
      %dma_start3A_172 = arith.constant 0 : i32
      %dma_start3A_173 = arith.constant 0 : i32
      %dma_start3A_174 = tpu.memref_slice %arg9[%run_scoped3A_42, %dma_start3A_172, %dma_start3A_173] : memref<2x512x32xbf16, #tpu.memory_space<vmem>> -> memref<1x512x32xbf16, #tpu.memory_space<vmem>>
      %dma_start3A_175 = tpu.memref_squeeze %dma_start3A_174 : memref<1x512x32xbf16, #tpu.memory_space<vmem>> -> memref<512x32xbf16, #tpu.memory_space<vmem>>
      %dma_start3A_176 = arith.constant 0 : i32
      %dma_start3A_177 = tpu.memref_slice %arg10[%add3A_41, %dma_start3A_176] : memref<100008x32xbf16, #tpu.memory_space<vmem_shared>> -> memref<512x32xbf16, #tpu.memory_space<vmem_shared>>
      %dma_start3A_178 = arith.constant 0 : i32
      %dma_start3A_179 = tpu.memref_slice %arg10[%add3A_41, %dma_start3A_178] : memref<100008x32xbf16, #tpu.memory_space<vmem_shared>> -> memref<512x32xbf16, #tpu.memory_space<vmem_shared>>
      %dma_start3A_180 = arith.constant 0 : i32
      %dma_start3A_181 = arith.constant 0 : i32
      %dma_start3A_182 = tpu.memref_slice %arg9[%run_scoped3A_42, %dma_start3A_180, %dma_start3A_181] : memref<2x512x32xbf16, #tpu.memory_space<vmem>> -> memref<1x512x32xbf16, #tpu.memory_space<vmem>>
      %dma_start3A_183 = tpu.memref_squeeze %dma_start3A_182 : memref<1x512x32xbf16, #tpu.memory_space<vmem>> -> memref<512x32xbf16, #tpu.memory_space<vmem>>
      tpu.enqueue_dma source(%dma_start3A_183 : memref<512x32xbf16, #tpu.memory_space<vmem>>) target(%dma_start3A_179 : memref<512x32xbf16, #tpu.memory_space<vmem_shared>>) target_semaphore(%run_scoped3A_171 : memref<!tpu.dma_semaphore, #tpu.memory_space<semaphore_mem>>)
      %dma_wait3A_184 = arith.constant 0 : i32
      %dma_wait3A_185 = arith.constant 0 : i32
      %dma_wait3A_186 = tpu.memref_slice %arg9[%run_scoped3A_42, %dma_wait3A_184, %dma_wait3A_185] : memref<2x512x32xbf16, #tpu.memory_space<vmem>> -> memref<1x512x32xbf16, #tpu.memory_space<vmem>>
      %dma_wait3A_187 = tpu.memref_squeeze %dma_wait3A_186 : memref<1x512x32xbf16, #tpu.memory_space<vmem>> -> memref<512x32xbf16, #tpu.memory_space<vmem>>
      %dma_wait3A_188 = arith.constant 0 : i32
      %dma_wait3A_189 = tpu.memref_slice %arg10[%add3A_41, %dma_wait3A_188] : memref<100008x32xbf16, #tpu.memory_space<vmem_shared>> -> memref<512x32xbf16, #tpu.memory_space<vmem_shared>>
      %dma_wait3A_190 = arith.constant 0 : i32
      %dma_wait3A_191 = tpu.memref_slice %arg10[%add3A_41, %dma_wait3A_190] : memref<100008x32xbf16, #tpu.memory_space<vmem_shared>> -> memref<512x32xbf16, #tpu.memory_space<vmem_shared>>
      %dma_wait3A_192 = arith.constant 0 : i32
      %dma_wait3A_193 = arith.constant 0 : i32
      %dma_wait3A_194 = tpu.memref_slice %arg9[%run_scoped3A_42, %dma_wait3A_192, %dma_wait3A_193] : memref<2x512x32xbf16, #tpu.memory_space<vmem>> -> memref<1x512x32xbf16, #tpu.memory_space<vmem>>
      %dma_wait3A_195 = tpu.memref_squeeze %dma_wait3A_194 : memref<1x512x32xbf16, #tpu.memory_space<vmem>> -> memref<512x32xbf16, #tpu.memory_space<vmem>>
      tpu.wait_dma2 semaphore(%run_scoped3A_171 : memref<!tpu.dma_semaphore, #tpu.memory_space<semaphore_mem>>) src(%dma_wait3A_195 : memref<512x32xbf16, #tpu.memory_space<vmem>>) dst(%dma_wait3A_191 : memref<512x32xbf16, #tpu.memory_space<vmem_shared>>)
      tpu.yield
    }) : () -> ()
    %mul3A_43 = arith.constant 6250 : i32
    %mul3A_44 = arith.muli %arg1, %mul3A_43 : i32
    %add3A_45 = arith.constant 4096 : i32
    %add3A_46 = arith.addi %mul3A_44, %add3A_45 : i32
    %run_scoped3A_47 = arith.constant 0 : i32
    "tpu.region"() ({
      %run_scoped3A_171 = tpu.sem_alloc : memref<!tpu.dma_semaphore, #tpu.memory_space<semaphore_mem>>
      %dma_start3A_172 = arith.constant 0 : i32
      %dma_start3A_173 = arith.constant 0 : i32
      %dma_start3A_174 = tpu.memref_slice %arg9[%run_scoped3A_47, %dma_start3A_172, %dma_start3A_173] : memref<2x512x32xbf16, #tpu.memory_space<vmem>> -> memref<1x512x32xbf16, #tpu.memory_space<vmem>>
      %dma_start3A_175 = tpu.memref_squeeze %dma_start3A_174 : memref<1x512x32xbf16, #tpu.memory_space<vmem>> -> memref<512x32xbf16, #tpu.memory_space<vmem>>
      %dma_start3A_176 = arith.constant 0 : i32
      %dma_start3A_177 = tpu.memref_slice %arg10[%add3A_46, %dma_start3A_176] : memref<100008x32xbf16, #tpu.memory_space<vmem_shared>> -> memref<512x32xbf16, #tpu.memory_space<vmem_shared>>
      %dma_start3A_178 = arith.constant 0 : i32
      %dma_start3A_179 = tpu.memref_slice %arg10[%add3A_46, %dma_start3A_178] : memref<100008x32xbf16, #tpu.memory_space<vmem_shared>> -> memref<512x32xbf16, #tpu.memory_space<vmem_shared>>
      %dma_start3A_180 = arith.constant 0 : i32
      %dma_start3A_181 = arith.constant 0 : i32
      %dma_start3A_182 = tpu.memref_slice %arg9[%run_scoped3A_47, %dma_start3A_180, %dma_start3A_181] : memref<2x512x32xbf16, #tpu.memory_space<vmem>> -> memref<1x512x32xbf16, #tpu.memory_space<vmem>>
      %dma_start3A_183 = tpu.memref_squeeze %dma_start3A_182 : memref<1x512x32xbf16, #tpu.memory_space<vmem>> -> memref<512x32xbf16, #tpu.memory_space<vmem>>
      tpu.enqueue_dma source(%dma_start3A_183 : memref<512x32xbf16, #tpu.memory_space<vmem>>) target(%dma_start3A_179 : memref<512x32xbf16, #tpu.memory_space<vmem_shared>>) target_semaphore(%run_scoped3A_171 : memref<!tpu.dma_semaphore, #tpu.memory_space<semaphore_mem>>)
      %dma_wait3A_184 = arith.constant 0 : i32
      %dma_wait3A_185 = arith.constant 0 : i32
      %dma_wait3A_186 = tpu.memref_slice %arg9[%run_scoped3A_47, %dma_wait3A_184, %dma_wait3A_185] : memref<2x512x32xbf16, #tpu.memory_space<vmem>> -> memref<1x512x32xbf16, #tpu.memory_space<vmem>>
      %dma_wait3A_187 = tpu.memref_squeeze %dma_wait3A_186 : memref<1x512x32xbf16, #tpu.memory_space<vmem>> -> memref<512x32xbf16, #tpu.memory_space<vmem>>
      %dma_wait3A_188 = arith.constant 0 : i32
      %dma_wait3A_189 = tpu.memref_slice %arg10[%add3A_46, %dma_wait3A_188] : memref<100008x32xbf16, #tpu.memory_space<vmem_shared>> -> memref<512x32xbf16, #tpu.memory_space<vmem_shared>>
      %dma_wait3A_190 = arith.constant 0 : i32
      %dma_wait3A_191 = tpu.memref_slice %arg10[%add3A_46, %dma_wait3A_190] : memref<100008x32xbf16, #tpu.memory_space<vmem_shared>> -> memref<512x32xbf16, #tpu.memory_space<vmem_shared>>
      %dma_wait3A_192 = arith.constant 0 : i32
      %dma_wait3A_193 = arith.constant 0 : i32
      %dma_wait3A_194 = tpu.memref_slice %arg9[%run_scoped3A_47, %dma_wait3A_192, %dma_wait3A_193] : memref<2x512x32xbf16, #tpu.memory_space<vmem>> -> memref<1x512x32xbf16, #tpu.memory_space<vmem>>
      %dma_wait3A_195 = tpu.memref_squeeze %dma_wait3A_194 : memref<1x512x32xbf16, #tpu.memory_space<vmem>> -> memref<512x32xbf16, #tpu.memory_space<vmem>>
      tpu.wait_dma2 semaphore(%run_scoped3A_171 : memref<!tpu.dma_semaphore, #tpu.memory_space<semaphore_mem>>) src(%dma_wait3A_195 : memref<512x32xbf16, #tpu.memory_space<vmem>>) dst(%dma_wait3A_191 : memref<512x32xbf16, #tpu.memory_space<vmem_shared>>)
      tpu.yield
    }) : () -> ()
    %mul3A_48 = arith.constant 6250 : i32
    %mul3A_49 = arith.muli %arg1, %mul3A_48 : i32
    %add3A_50 = arith.constant 4608 : i32
    %add3A_51 = arith.addi %mul3A_49, %add3A_50 : i32
    %run_scoped3A_52 = arith.constant 0 : i32
    "tpu.region"() ({
      %run_scoped3A_171 = tpu.sem_alloc : memref<!tpu.dma_semaphore, #tpu.memory_space<semaphore_mem>>
      %dma_start3A_172 = arith.constant 0 : i32
      %dma_start3A_173 = arith.constant 0 : i32
      %dma_start3A_174 = tpu.memref_slice %arg9[%run_scoped3A_52, %dma_start3A_172, %dma_start3A_173] : memref<2x512x32xbf16, #tpu.memory_space<vmem>> -> memref<1x512x32xbf16, #tpu.memory_space<vmem>>
      %dma_start3A_175 = tpu.memref_squeeze %dma_start3A_174 : memref<1x512x32xbf16, #tpu.memory_space<vmem>> -> memref<512x32xbf16, #tpu.memory_space<vmem>>
      %dma_start3A_176 = arith.constant 0 : i32
      %dma_start3A_177 = tpu.memref_slice %arg10[%add3A_51, %dma_start3A_176] : memref<100008x32xbf16, #tpu.memory_space<vmem_shared>> -> memref<512x32xbf16, #tpu.memory_space<vmem_shared>>
      %dma_start3A_178 = arith.constant 0 : i32
      %dma_start3A_179 = tpu.memref_slice %arg10[%add3A_51, %dma_start3A_178] : memref<100008x32xbf16, #tpu.memory_space<vmem_shared>> -> memref<512x32xbf16, #tpu.memory_space<vmem_shared>>
      %dma_start3A_180 = arith.constant 0 : i32
      %dma_start3A_181 = arith.constant 0 : i32
      %dma_start3A_182 = tpu.memref_slice %arg9[%run_scoped3A_52, %dma_start3A_180, %dma_start3A_181] : memref<2x512x32xbf16, #tpu.memory_space<vmem>> -> memref<1x512x32xbf16, #tpu.memory_space<vmem>>
      %dma_start3A_183 = tpu.memref_squeeze %dma_start3A_182 : memref<1x512x32xbf16, #tpu.memory_space<vmem>> -> memref<512x32xbf16, #tpu.memory_space<vmem>>
      tpu.enqueue_dma source(%dma_start3A_183 : memref<512x32xbf16, #tpu.memory_space<vmem>>) target(%dma_start3A_179 : memref<512x32xbf16, #tpu.memory_space<vmem_shared>>) target_semaphore(%run_scoped3A_171 : memref<!tpu.dma_semaphore, #tpu.memory_space<semaphore_mem>>)
      %dma_wait3A_184 = arith.constant 0 : i32
      %dma_wait3A_185 = arith.constant 0 : i32
      %dma_wait3A_186 = tpu.memref_slice %arg9[%run_scoped3A_52, %dma_wait3A_184, %dma_wait3A_185] : memref<2x512x32xbf16, #tpu.memory_space<vmem>> -> memref<1x512x32xbf16, #tpu.memory_space<vmem>>
      %dma_wait3A_187 = tpu.memref_squeeze %dma_wait3A_186 : memref<1x512x32xbf16, #tpu.memory_space<vmem>> -> memref<512x32xbf16, #tpu.memory_space<vmem>>
      %dma_wait3A_188 = arith.constant 0 : i32
      %dma_wait3A_189 = tpu.memref_slice %arg10[%add3A_51, %dma_wait3A_188] : memref<100008x32xbf16, #tpu.memory_space<vmem_shared>> -> memref<512x32xbf16, #tpu.memory_space<vmem_shared>>
      %dma_wait3A_190 = arith.constant 0 : i32
      %dma_wait3A_191 = tpu.memref_slice %arg10[%add3A_51, %dma_wait3A_190] : memref<100008x32xbf16, #tpu.memory_space<vmem_shared>> -> memref<512x32xbf16, #tpu.memory_space<vmem_shared>>
      %dma_wait3A_192 = arith.constant 0 : i32
      %dma_wait3A_193 = arith.constant 0 : i32
      %dma_wait3A_194 = tpu.memref_slice %arg9[%run_scoped3A_52, %dma_wait3A_192, %dma_wait3A_193] : memref<2x512x32xbf16, #tpu.memory_space<vmem>> -> memref<1x512x32xbf16, #tpu.memory_space<vmem>>
      %dma_wait3A_195 = tpu.memref_squeeze %dma_wait3A_194 : memref<1x512x32xbf16, #tpu.memory_space<vmem>> -> memref<512x32xbf16, #tpu.memory_space<vmem>>
      tpu.wait_dma2 semaphore(%run_scoped3A_171 : memref<!tpu.dma_semaphore, #tpu.memory_space<semaphore_mem>>) src(%dma_wait3A_195 : memref<512x32xbf16, #tpu.memory_space<vmem>>) dst(%dma_wait3A_191 : memref<512x32xbf16, #tpu.memory_space<vmem_shared>>)
      tpu.yield
    }) : () -> ()
    %mul3A_53 = arith.constant 6250 : i32
    %mul3A_54 = arith.muli %arg1, %mul3A_53 : i32
    %add3A_55 = arith.constant 5120 : i32
    %add3A_56 = arith.addi %mul3A_54, %add3A_55 : i32
    %run_scoped3A_57 = arith.constant 0 : i32
    "tpu.region"() ({
      %run_scoped3A_171 = tpu.sem_alloc : memref<!tpu.dma_semaphore, #tpu.memory_space<semaphore_mem>>
      %dma_start3A_172 = arith.constant 0 : i32
      %dma_start3A_173 = arith.constant 0 : i32
      %dma_start3A_174 = tpu.memref_slice %arg9[%run_scoped3A_57, %dma_start3A_172, %dma_start3A_173] : memref<2x512x32xbf16, #tpu.memory_space<vmem>> -> memref<1x512x32xbf16, #tpu.memory_space<vmem>>
      %dma_start3A_175 = tpu.memref_squeeze %dma_start3A_174 : memref<1x512x32xbf16, #tpu.memory_space<vmem>> -> memref<512x32xbf16, #tpu.memory_space<vmem>>
      %dma_start3A_176 = arith.constant 0 : i32
      %dma_start3A_177 = tpu.memref_slice %arg10[%add3A_56, %dma_start3A_176] : memref<100008x32xbf16, #tpu.memory_space<vmem_shared>> -> memref<512x32xbf16, #tpu.memory_space<vmem_shared>>
      %dma_start3A_178 = arith.constant 0 : i32
      %dma_start3A_179 = tpu.memref_slice %arg10[%add3A_56, %dma_start3A_178] : memref<100008x32xbf16, #tpu.memory_space<vmem_shared>> -> memref<512x32xbf16, #tpu.memory_space<vmem_shared>>
      %dma_start3A_180 = arith.constant 0 : i32
      %dma_start3A_181 = arith.constant 0 : i32
      %dma_start3A_182 = tpu.memref_slice %arg9[%run_scoped3A_57, %dma_start3A_180, %dma_start3A_181] : memref<2x512x32xbf16, #tpu.memory_space<vmem>> -> memref<1x512x32xbf16, #tpu.memory_space<vmem>>
      %dma_start3A_183 = tpu.memref_squeeze %dma_start3A_182 : memref<1x512x32xbf16, #tpu.memory_space<vmem>> -> memref<512x32xbf16, #tpu.memory_space<vmem>>
      tpu.enqueue_dma source(%dma_start3A_183 : memref<512x32xbf16, #tpu.memory_space<vmem>>) target(%dma_start3A_179 : memref<512x32xbf16, #tpu.memory_space<vmem_shared>>) target_semaphore(%run_scoped3A_171 : memref<!tpu.dma_semaphore, #tpu.memory_space<semaphore_mem>>)
      %dma_wait3A_184 = arith.constant 0 : i32
      %dma_wait3A_185 = arith.constant 0 : i32
      %dma_wait3A_186 = tpu.memref_slice %arg9[%run_scoped3A_57, %dma_wait3A_184, %dma_wait3A_185] : memref<2x512x32xbf16, #tpu.memory_space<vmem>> -> memref<1x512x32xbf16, #tpu.memory_space<vmem>>
      %dma_wait3A_187 = tpu.memref_squeeze %dma_wait3A_186 : memref<1x512x32xbf16, #tpu.memory_space<vmem>> -> memref<512x32xbf16, #tpu.memory_space<vmem>>
      %dma_wait3A_188 = arith.constant 0 : i32
      %dma_wait3A_189 = tpu.memref_slice %arg10[%add3A_56, %dma_wait3A_188] : memref<100008x32xbf16, #tpu.memory_space<vmem_shared>> -> memref<512x32xbf16, #tpu.memory_space<vmem_shared>>
      %dma_wait3A_190 = arith.constant 0 : i32
      %dma_wait3A_191 = tpu.memref_slice %arg10[%add3A_56, %dma_wait3A_190] : memref<100008x32xbf16, #tpu.memory_space<vmem_shared>> -> memref<512x32xbf16, #tpu.memory_space<vmem_shared>>
      %dma_wait3A_192 = arith.constant 0 : i32
      %dma_wait3A_193 = arith.constant 0 : i32
      %dma_wait3A_194 = tpu.memref_slice %arg9[%run_scoped3A_57, %dma_wait3A_192, %dma_wait3A_193] : memref<2x512x32xbf16, #tpu.memory_space<vmem>> -> memref<1x512x32xbf16, #tpu.memory_space<vmem>>
      %dma_wait3A_195 = tpu.memref_squeeze %dma_wait3A_194 : memref<1x512x32xbf16, #tpu.memory_space<vmem>> -> memref<512x32xbf16, #tpu.memory_space<vmem>>
      tpu.wait_dma2 semaphore(%run_scoped3A_171 : memref<!tpu.dma_semaphore, #tpu.memory_space<semaphore_mem>>) src(%dma_wait3A_195 : memref<512x32xbf16, #tpu.memory_space<vmem>>) dst(%dma_wait3A_191 : memref<512x32xbf16, #tpu.memory_space<vmem_shared>>)
      tpu.yield
    }) : () -> ()
    %mul3A_58 = arith.constant 6250 : i32
    %mul3A_59 = arith.muli %arg1, %mul3A_58 : i32
    %add3A_60 = arith.constant 5632 : i32
    %add3A_61 = arith.addi %mul3A_59, %add3A_60 : i32
    %run_scoped3A_62 = arith.constant 0 : i32
    "tpu.region"() ({
      %run_scoped3A_171 = tpu.sem_alloc : memref<!tpu.dma_semaphore, #tpu.memory_space<semaphore_mem>>
      %dma_start3A_172 = arith.constant 0 : i32
      %dma_start3A_173 = arith.constant 0 : i32
      %dma_start3A_174 = tpu.memref_slice %arg9[%run_scoped3A_62, %dma_start3A_172, %dma_start3A_173] : memref<2x512x32xbf16, #tpu.memory_space<vmem>> -> memref<1x512x32xbf16, #tpu.memory_space<vmem>>
      %dma_start3A_175 = tpu.memref_squeeze %dma_start3A_174 : memref<1x512x32xbf16, #tpu.memory_space<vmem>> -> memref<512x32xbf16, #tpu.memory_space<vmem>>
      %dma_start3A_176 = arith.constant 0 : i32
      %dma_start3A_177 = tpu.memref_slice %arg10[%add3A_61, %dma_start3A_176] : memref<100008x32xbf16, #tpu.memory_space<vmem_shared>> -> memref<512x32xbf16, #tpu.memory_space<vmem_shared>>
      %dma_start3A_178 = arith.constant 0 : i32
      %dma_start3A_179 = tpu.memref_slice %arg10[%add3A_61, %dma_start3A_178] : memref<100008x32xbf16, #tpu.memory_space<vmem_shared>> -> memref<512x32xbf16, #tpu.memory_space<vmem_shared>>
      %dma_start3A_180 = arith.constant 0 : i32
      %dma_start3A_181 = arith.constant 0 : i32
      %dma_start3A_182 = tpu.memref_slice %arg9[%run_scoped3A_62, %dma_start3A_180, %dma_start3A_181] : memref<2x512x32xbf16, #tpu.memory_space<vmem>> -> memref<1x512x32xbf16, #tpu.memory_space<vmem>>
      %dma_start3A_183 = tpu.memref_squeeze %dma_start3A_182 : memref<1x512x32xbf16, #tpu.memory_space<vmem>> -> memref<512x32xbf16, #tpu.memory_space<vmem>>
      tpu.enqueue_dma source(%dma_start3A_183 : memref<512x32xbf16, #tpu.memory_space<vmem>>) target(%dma_start3A_179 : memref<512x32xbf16, #tpu.memory_space<vmem_shared>>) target_semaphore(%run_scoped3A_171 : memref<!tpu.dma_semaphore, #tpu.memory_space<semaphore_mem>>)
      %dma_wait3A_184 = arith.constant 0 : i32
      %dma_wait3A_185 = arith.constant 0 : i32
      %dma_wait3A_186 = tpu.memref_slice %arg9[%run_scoped3A_62, %dma_wait3A_184, %dma_wait3A_185] : memref<2x512x32xbf16, #tpu.memory_space<vmem>> -> memref<1x512x32xbf16, #tpu.memory_space<vmem>>
      %dma_wait3A_187 = tpu.memref_squeeze %dma_wait3A_186 : memref<1x512x32xbf16, #tpu.memory_space<vmem>> -> memref<512x32xbf16, #tpu.memory_space<vmem>>
      %dma_wait3A_188 = arith.constant 0 : i32
      %dma_wait3A_189 = tpu.memref_slice %arg10[%add3A_61, %dma_wait3A_188] : memref<100008x32xbf16, #tpu.memory_space<vmem_shared>> -> memref<512x32xbf16, #tpu.memory_space<vmem_shared>>
      %dma_wait3A_190 = arith.constant 0 : i32
      %dma_wait3A_191 = tpu.memref_slice %arg10[%add3A_61, %dma_wait3A_190] : memref<100008x32xbf16, #tpu.memory_space<vmem_shared>> -> memref<512x32xbf16, #tpu.memory_space<vmem_shared>>
      %dma_wait3A_192 = arith.constant 0 : i32
      %dma_wait3A_193 = arith.constant 0 : i32
      %dma_wait3A_194 = tpu.memref_slice %arg9[%run_scoped3A_62, %dma_wait3A_192, %dma_wait3A_193] : memref<2x512x32xbf16, #tpu.memory_space<vmem>> -> memref<1x512x32xbf16, #tpu.memory_space<vmem>>
      %dma_wait3A_195 = tpu.memref_squeeze %dma_wait3A_194 : memref<1x512x32xbf16, #tpu.memory_space<vmem>> -> memref<512x32xbf16, #tpu.memory_space<vmem>>
      tpu.wait_dma2 semaphore(%run_scoped3A_171 : memref<!tpu.dma_semaphore, #tpu.memory_space<semaphore_mem>>) src(%dma_wait3A_195 : memref<512x32xbf16, #tpu.memory_space<vmem>>) dst(%dma_wait3A_191 : memref<512x32xbf16, #tpu.memory_space<vmem_shared>>)
      tpu.yield
    }) : () -> ()
    %mul3A_63 = arith.constant 6250 : i32
    %mul3A_64 = arith.muli %arg1, %mul3A_63 : i32
    %add3A_65 = arith.constant 6144 : i32
    %add3A_66 = arith.addi %mul3A_64, %add3A_65 : i32
    %run_scoped3A_67 = arith.constant 0 : i32
    "tpu.region"() ({
      %run_scoped3A_171 = tpu.sem_alloc : memref<!tpu.dma_semaphore, #tpu.memory_space<semaphore_mem>>
      %dma_start3A_172 = arith.constant 0 : i32
      %dma_start3A_173 = arith.constant 0 : i32
      %dma_start3A_174 = tpu.memref_slice %arg9[%run_scoped3A_67, %dma_start3A_172, %dma_start3A_173] : memref<2x512x32xbf16, #tpu.memory_space<vmem>> -> memref<1x512x32xbf16, #tpu.memory_space<vmem>>
      %dma_start3A_175 = tpu.memref_squeeze %dma_start3A_174 : memref<1x512x32xbf16, #tpu.memory_space<vmem>> -> memref<512x32xbf16, #tpu.memory_space<vmem>>
      %dma_start3A_176 = arith.constant 0 : i32
      %dma_start3A_177 = arith.constant 0 : i32
      %dma_start3A_178 = tpu.memref_slice %dma_start3A_175[%dma_start3A_176, %dma_start3A_177] : memref<512x32xbf16, #tpu.memory_space<vmem>> -> memref<106x32xbf16, #tpu.memory_space<vmem>>
      %dma_start3A_179 = arith.constant 0 : i32
      %dma_start3A_180 = tpu.memref_slice %arg10[%add3A_66, %dma_start3A_179] : memref<100008x32xbf16, #tpu.memory_space<vmem_shared>> -> memref<106x32xbf16, #tpu.memory_space<vmem_shared>>
      %dma_start3A_181 = arith.constant 0 : i32
      %dma_start3A_182 = tpu.memref_slice %arg10[%add3A_66, %dma_start3A_181] : memref<100008x32xbf16, #tpu.memory_space<vmem_shared>> -> memref<106x32xbf16, #tpu.memory_space<vmem_shared>>
      %dma_start3A_183 = arith.constant 0 : i32
      %dma_start3A_184 = arith.constant 0 : i32
      %dma_start3A_185 = tpu.memref_slice %arg9[%run_scoped3A_67, %dma_start3A_183, %dma_start3A_184] : memref<2x512x32xbf16, #tpu.memory_space<vmem>> -> memref<1x512x32xbf16, #tpu.memory_space<vmem>>
      %dma_start3A_186 = tpu.memref_squeeze %dma_start3A_185 : memref<1x512x32xbf16, #tpu.memory_space<vmem>> -> memref<512x32xbf16, #tpu.memory_space<vmem>>
      %dma_start3A_187 = arith.constant 0 : i32
      %dma_start3A_188 = arith.constant 0 : i32
      %dma_start3A_189 = tpu.memref_slice %dma_start3A_186[%dma_start3A_187, %dma_start3A_188] : memref<512x32xbf16, #tpu.memory_space<vmem>> -> memref<106x32xbf16, #tpu.memory_space<vmem>>
      tpu.enqueue_dma source(%dma_start3A_189 : memref<106x32xbf16, #tpu.memory_space<vmem>>) target(%dma_start3A_182 : memref<106x32xbf16, #tpu.memory_space<vmem_shared>>) target_semaphore(%run_scoped3A_171 : memref<!tpu.dma_semaphore, #tpu.memory_space<semaphore_mem>>)
      %dma_wait3A_190 = arith.constant 0 : i32
      %dma_wait3A_191 = arith.constant 0 : i32
      %dma_wait3A_192 = tpu.memref_slice %arg9[%run_scoped3A_67, %dma_wait3A_190, %dma_wait3A_191] : memref<2x512x32xbf16, #tpu.memory_space<vmem>> -> memref<1x512x32xbf16, #tpu.memory_space<vmem>>
      %dma_wait3A_193 = tpu.memref_squeeze %dma_wait3A_192 : memref<1x512x32xbf16, #tpu.memory_space<vmem>> -> memref<512x32xbf16, #tpu.memory_space<vmem>>
      %dma_wait3A_194 = arith.constant 0 : i32
      %dma_wait3A_195 = arith.constant 0 : i32
      %dma_wait3A_196 = tpu.memref_slice %dma_wait3A_193[%dma_wait3A_194, %dma_wait3A_195] : memref<512x32xbf16, #tpu.memory_space<vmem>> -> memref<106x32xbf16, #tpu.memory_space<vmem>>
      %dma_wait3A_197 = arith.constant 0 : i32
      %dma_wait3A_198 = tpu.memref_slice %arg10[%add3A_66, %dma_wait3A_197] : memref<100008x32xbf16, #tpu.memory_space<vmem_shared>> -> memref<106x32xbf16, #tpu.memory_space<vmem_shared>>
      %dma_wait3A_199 = arith.constant 0 : i32
      %dma_wait3A_200 = tpu.memref_slice %arg10[%add3A_66, %dma_wait3A_199] : memref<100008x32xbf16, #tpu.memory_space<vmem_shared>> -> memref<106x32xbf16, #tpu.memory_space<vmem_shared>>
      %dma_wait3A_201 = arith.constant 0 : i32
      %dma_wait3A_202 = arith.constant 0 : i32
      %dma_wait3A_203 = tpu.memref_slice %arg9[%run_scoped3A_67, %dma_wait3A_201, %dma_wait3A_202] : memref<2x512x32xbf16, #tpu.memory_space<vmem>> -> memref<1x512x32xbf16, #tpu.memory_space<vmem>>
      %dma_wait3A_204 = tpu.memref_squeeze %dma_wait3A_203 : memref<1x512x32xbf16, #tpu.memory_space<vmem>> -> memref<512x32xbf16, #tpu.memory_space<vmem>>
      %dma_wait3A_205 = arith.constant 0 : i32
      %dma_wait3A_206 = arith.constant 0 : i32
      %dma_wait3A_207 = tpu.memref_slice %dma_wait3A_204[%dma_wait3A_205, %dma_wait3A_206] : memref<512x32xbf16, #tpu.memory_space<vmem>> -> memref<106x32xbf16, #tpu.memory_space<vmem>>
      tpu.wait_dma2 semaphore(%run_scoped3A_171 : memref<!tpu.dma_semaphore, #tpu.memory_space<semaphore_mem>>) src(%dma_wait3A_207 : memref<106x32xbf16, #tpu.memory_space<vmem>>) dst(%dma_wait3A_200 : memref<106x32xbf16, #tpu.memory_space<vmem_shared>>)
      tpu.yield
    }) : () -> ()
    %eq3A = arith.constant 0 : i32
    %eq3A_68 = arith.cmpi eq, %arg1, %eq3A : i32
    %convert_element_type3A = arith.extui %eq3A_68 : i1 to i32
    %cond3A = arith.constant 0 : i32
    %cond3A_69 = arith.constant 0 : i32
    %cond3A_70 = arith.cmpi ne, %convert_element_type3A, %cond3A_69 : i32
    scf.if %cond3A_70 {
      "tpu.region"() ({
        %run_scoped3A_171 = tpu.sem_alloc : memref<!tpu.dma_semaphore, #tpu.memory_space<semaphore_mem>>
        %dma_start3A_172 = arith.constant 0 : i32
        %dma_start3A_173 = arith.constant 0 : i32
        %dma_start3A_174 = tpu.memref_slice %arg9[%cond3A, %dma_start3A_172, %dma_start3A_173] : memref<2x512x32xbf16, #tpu.memory_space<vmem>> -> memref<1x512x32xbf16, #tpu.memory_space<vmem>>
        %dma_start3A_175 = tpu.memref_squeeze %dma_start3A_174 : memref<1x512x32xbf16, #tpu.memory_space<vmem>> -> memref<512x32xbf16, #tpu.memory_space<vmem>>
        %dma_start3A_176 = arith.constant 0 : i32
        %dma_start3A_177 = arith.constant 0 : i32
        %dma_start3A_178 = tpu.memref_slice %dma_start3A_175[%dma_start3A_176, %dma_start3A_177] : memref<512x32xbf16, #tpu.memory_space<vmem>> -> memref<8x32xbf16, #tpu.memory_space<vmem>>
        %dma_start3A_179 = arith.constant 100000 : i32
        %dma_start3A_180 = arith.constant 0 : i32
        %dma_start3A_181 = tpu.memref_slice %arg10[%dma_start3A_179, %dma_start3A_180] : memref<100008x32xbf16, #tpu.memory_space<vmem_shared>> -> memref<8x32xbf16, #tpu.memory_space<vmem_shared>>
        %dma_start3A_182 = arith.constant 100000 : i32
        %dma_start3A_183 = arith.constant 0 : i32
        %dma_start3A_184 = tpu.memref_slice %arg10[%dma_start3A_182, %dma_start3A_183] : memref<100008x32xbf16, #tpu.memory_space<vmem_shared>> -> memref<8x32xbf16, #tpu.memory_space<vmem_shared>>
        %dma_start3A_185 = arith.constant 0 : i32
        %dma_start3A_186 = arith.constant 0 : i32
        %dma_start3A_187 = tpu.memref_slice %arg9[%cond3A, %dma_start3A_185, %dma_start3A_186] : memref<2x512x32xbf16, #tpu.memory_space<vmem>> -> memref<1x512x32xbf16, #tpu.memory_space<vmem>>
        %dma_start3A_188 = tpu.memref_squeeze %dma_start3A_187 : memref<1x512x32xbf16, #tpu.memory_space<vmem>> -> memref<512x32xbf16, #tpu.memory_space<vmem>>
        %dma_start3A_189 = arith.constant 0 : i32
        %dma_start3A_190 = arith.constant 0 : i32
        %dma_start3A_191 = tpu.memref_slice %dma_start3A_188[%dma_start3A_189, %dma_start3A_190] : memref<512x32xbf16, #tpu.memory_space<vmem>> -> memref<8x32xbf16, #tpu.memory_space<vmem>>
        tpu.enqueue_dma source(%dma_start3A_191 : memref<8x32xbf16, #tpu.memory_space<vmem>>) target(%dma_start3A_184 : memref<8x32xbf16, #tpu.memory_space<vmem_shared>>) target_semaphore(%run_scoped3A_171 : memref<!tpu.dma_semaphore, #tpu.memory_space<semaphore_mem>>)
        %dma_wait3A_192 = arith.constant 0 : i32
        %dma_wait3A_193 = arith.constant 0 : i32
        %dma_wait3A_194 = tpu.memref_slice %arg9[%cond3A, %dma_wait3A_192, %dma_wait3A_193] : memref<2x512x32xbf16, #tpu.memory_space<vmem>> -> memref<1x512x32xbf16, #tpu.memory_space<vmem>>
        %dma_wait3A_195 = tpu.memref_squeeze %dma_wait3A_194 : memref<1x512x32xbf16, #tpu.memory_space<vmem>> -> memref<512x32xbf16, #tpu.memory_space<vmem>>
        %dma_wait3A_196 = arith.constant 0 : i32
        %dma_wait3A_197 = arith.constant 0 : i32
        %dma_wait3A_198 = tpu.memref_slice %dma_wait3A_195[%dma_wait3A_196, %dma_wait3A_197] : memref<512x32xbf16, #tpu.memory_space<vmem>> -> memref<8x32xbf16, #tpu.memory_space<vmem>>
        %dma_wait3A_199 = arith.constant 100000 : i32
        %dma_wait3A_200 = arith.constant 0 : i32
        %dma_wait3A_201 = tpu.memref_slice %arg10[%dma_wait3A_199, %dma_wait3A_200] : memref<100008x32xbf16, #tpu.memory_space<vmem_shared>> -> memref<8x32xbf16, #tpu.memory_space<vmem_shared>>
        %dma_wait3A_202 = arith.constant 100000 : i32
        %dma_wait3A_203 = arith.constant 0 : i32
        %dma_wait3A_204 = tpu.memref_slice %arg10[%dma_wait3A_202, %dma_wait3A_203] : memref<100008x32xbf16, #tpu.memory_space<vmem_shared>> -> memref<8x32xbf16, #tpu.memory_space<vmem_shared>>
        %dma_wait3A_205 = arith.constant 0 : i32
        %dma_wait3A_206 = arith.constant 0 : i32
        %dma_wait3A_207 = tpu.memref_slice %arg9[%cond3A, %dma_wait3A_205, %dma_wait3A_206] : memref<2x512x32xbf16, #tpu.memory_space<vmem>> -> memref<1x512x32xbf16, #tpu.memory_space<vmem>>
        %dma_wait3A_208 = tpu.memref_squeeze %dma_wait3A_207 : memref<1x512x32xbf16, #tpu.memory_space<vmem>> -> memref<512x32xbf16, #tpu.memory_space<vmem>>
        %dma_wait3A_209 = arith.constant 0 : i32
        %dma_wait3A_210 = arith.constant 0 : i32
        %dma_wait3A_211 = tpu.memref_slice %dma_wait3A_208[%dma_wait3A_209, %dma_wait3A_210] : memref<512x32xbf16, #tpu.memory_space<vmem>> -> memref<8x32xbf16, #tpu.memory_space<vmem>>
        tpu.wait_dma2 semaphore(%run_scoped3A_171 : memref<!tpu.dma_semaphore, #tpu.memory_space<semaphore_mem>>) src(%dma_wait3A_211 : memref<8x32xbf16, #tpu.memory_space<vmem>>) dst(%dma_wait3A_204 : memref<8x32xbf16, #tpu.memory_space<vmem_shared>>)
        tpu.yield
      }) : () -> ()
    } else {
    }
    %barrier3A = arith.constant 0 : index
    tpu.barrier barrier_id(%barrier3A)
    %mul3A_71 = arith.constant 16 : i32
    %mul3A_72 = arith.muli %arg0, %mul3A_71 : i32
    %add3A_73 = arith.addi %mul3A_72, %arg1 : i32
    %mul3A_74 = arith.constant 392 : i32
    %mul3A_75 = arith.muli %add3A_73, %mul3A_74 : i32
    %add3A_76 = arith.constant 0 : i32
    %add3A_77 = arith.addi %mul3A_75, %add3A_76 : i32
    %dma_start3A = arith.constant 0 : i32
    %dma_start3A_78 = arith.constant 0 : i32
    %dma_start3A_79 = arith.constant 0 : i32
    %dma_start3A_80 = tpu.memref_slice %arg7[%dma_start3A, %dma_start3A_78, %dma_start3A_79] : memref<2x4x128xi32, #tpu.memory_space<vmem>> -> memref<1x4x128xi32, #tpu.memory_space<vmem>>
    %dma_start3A_81 = tpu.memref_squeeze %dma_start3A_80 : memref<1x4x128xi32, #tpu.memory_space<vmem>> -> memref<4x128xi32, #tpu.memory_space<vmem>>
    %dma_start3A_82 = arith.constant 0 : i32
    %dma_start3A_83 = tpu.memref_slice %arg3[%add3A_77, %dma_start3A_82] : memref<12544x128xi32, #tpu.memory_space<hbm>> -> memref<4x128xi32, #tpu.memory_space<hbm>>
    %dma_start3A_84 = arith.constant 0 : i32
    %dma_start3A_85 = arith.constant 0 : i32
    %dma_start3A_86 = tpu.memref_slice %arg7[%dma_start3A, %dma_start3A_84, %dma_start3A_85] : memref<2x4x128xi32, #tpu.memory_space<vmem>> -> memref<1x4x128xi32, #tpu.memory_space<vmem>>
    %dma_start3A_87 = tpu.memref_squeeze %dma_start3A_86 : memref<1x4x128xi32, #tpu.memory_space<vmem>> -> memref<4x128xi32, #tpu.memory_space<vmem>>
    %dma_start3A_88 = arith.constant 0 : i32
    %dma_start3A_89 = tpu.memref_slice %arg3[%add3A_77, %dma_start3A_88] : memref<12544x128xi32, #tpu.memory_space<hbm>> -> memref<4x128xi32, #tpu.memory_space<hbm>>
    tpu.enqueue_dma source(%dma_start3A_89 : memref<4x128xi32, #tpu.memory_space<hbm>>) target(%dma_start3A_87 : memref<4x128xi32, #tpu.memory_space<vmem>>) target_semaphore(%arg11 : memref<!tpu.dma_semaphore, #tpu.memory_space<semaphore_mem>>)
    %dma_start3A_90 = arith.constant 0 : i32
    %dma_start3A_91 = arith.constant 0 : i32
    %dma_start3A_92 = arith.constant 0 : i32
    %dma_start3A_93 = tpu.memref_slice %arg8[%dma_start3A_90, %dma_start3A_91, %dma_start3A_92] : memref<2x4x128xi32, #tpu.memory_space<vmem>> -> memref<1x4x128xi32, #tpu.memory_space<vmem>>
    %dma_start3A_94 = tpu.memref_squeeze %dma_start3A_93 : memref<1x4x128xi32, #tpu.memory_space<vmem>> -> memref<4x128xi32, #tpu.memory_space<vmem>>
    %dma_start3A_95 = arith.constant 0 : i32
    %dma_start3A_96 = tpu.memref_slice %arg4[%add3A_77, %dma_start3A_95] : memref<12544x128xi32, #tpu.memory_space<hbm>> -> memref<4x128xi32, #tpu.memory_space<hbm>>
    %dma_start3A_97 = arith.constant 0 : i32
    %dma_start3A_98 = arith.constant 0 : i32
    %dma_start3A_99 = tpu.memref_slice %arg8[%dma_start3A_90, %dma_start3A_97, %dma_start3A_98] : memref<2x4x128xi32, #tpu.memory_space<vmem>> -> memref<1x4x128xi32, #tpu.memory_space<vmem>>
    %dma_start3A_100 = tpu.memref_squeeze %dma_start3A_99 : memref<1x4x128xi32, #tpu.memory_space<vmem>> -> memref<4x128xi32, #tpu.memory_space<vmem>>
    %dma_start3A_101 = arith.constant 0 : i32
    %dma_start3A_102 = tpu.memref_slice %arg4[%add3A_77, %dma_start3A_101] : memref<12544x128xi32, #tpu.memory_space<hbm>> -> memref<4x128xi32, #tpu.memory_space<hbm>>
    tpu.enqueue_dma source(%dma_start3A_102 : memref<4x128xi32, #tpu.memory_space<hbm>>) target(%dma_start3A_100 : memref<4x128xi32, #tpu.memory_space<vmem>>) target_semaphore(%arg11 : memref<!tpu.dma_semaphore, #tpu.memory_space<semaphore_mem>>)
    %scan3A_103 = arith.constant 0 : i32
    %scan3A_104 = arith.constant 0 : i32
    %scan3A_105 = arith.constant 49 : i32
    %scan3A_106 = arith.addi %scan3A_104, %scan3A_105 : i32
    %scan3A_107 = arith.constant 1 : i32
    scf.for %scan3A_171 = %scan3A_104 to %scan3A_106 step %scan3A_107  : i32 {
      %mul3A_172 = arith.constant 2 : i32
      %mul3A_173 = arith.muli %mul3A_172, %scan3A_171 : i32
      %add3A_174 = arith.constant 0 : i32
      %add3A_175 = arith.addi %mul3A_173, %add3A_174 : i32
      %dma_wait3A_176 = arith.constant 0 : i32
      %dma_wait3A_177 = arith.constant 0 : i32
      %dma_wait3A_178 = arith.constant 0 : i32
      %dma_wait3A_179 = tpu.memref_slice %arg7[%dma_wait3A_176, %dma_wait3A_177, %dma_wait3A_178] : memref<2x4x128xi32, #tpu.memory_space<vmem>> -> memref<1x4x128xi32, #tpu.memory_space<vmem>>
      %dma_wait3A_180 = tpu.memref_squeeze %dma_wait3A_179 : memref<1x4x128xi32, #tpu.memory_space<vmem>> -> memref<4x128xi32, #tpu.memory_space<vmem>>
      %dma_wait3A_181 = arith.constant 0 : i32
      %dma_wait3A_182 = tpu.memref_slice %arg3[%mul3A_75, %dma_wait3A_181] : memref<12544x128xi32, #tpu.memory_space<hbm>> -> memref<4x128xi32, #tpu.memory_space<hbm>>
      %dma_wait3A_183 = arith.constant 0 : i32
      %dma_wait3A_184 = arith.constant 0 : i32
      %dma_wait3A_185 = tpu.memref_slice %arg7[%dma_wait3A_176, %dma_wait3A_183, %dma_wait3A_184] : memref<2x4x128xi32, #tpu.memory_space<vmem>> -> memref<1x4x128xi32, #tpu.memory_space<vmem>>
      %dma_wait3A_186 = tpu.memref_squeeze %dma_wait3A_185 : memref<1x4x128xi32, #tpu.memory_space<vmem>> -> memref<4x128xi32, #tpu.memory_space<vmem>>
      %dma_wait3A_187 = arith.constant 0 : i32
      %dma_wait3A_188 = tpu.memref_slice %arg3[%mul3A_75, %dma_wait3A_187] : memref<12544x128xi32, #tpu.memory_space<hbm>> -> memref<4x128xi32, #tpu.memory_space<hbm>>
      tpu.wait_dma2 semaphore(%arg11 : memref<!tpu.dma_semaphore, #tpu.memory_space<semaphore_mem>>) src(%dma_wait3A_188 : memref<4x128xi32, #tpu.memory_space<hbm>>) dst(%dma_wait3A_186 : memref<4x128xi32, #tpu.memory_space<vmem>>)
      %dma_wait3A_189 = arith.constant 0 : i32
      %dma_wait3A_190 = arith.constant 0 : i32
      %dma_wait3A_191 = arith.constant 0 : i32
      %dma_wait3A_192 = tpu.memref_slice %arg8[%dma_wait3A_189, %dma_wait3A_190, %dma_wait3A_191] : memref<2x4x128xi32, #tpu.memory_space<vmem>> -> memref<1x4x128xi32, #tpu.memory_space<vmem>>
      %dma_wait3A_193 = tpu.memref_squeeze %dma_wait3A_192 : memref<1x4x128xi32, #tpu.memory_space<vmem>> -> memref<4x128xi32, #tpu.memory_space<vmem>>
      %dma_wait3A_194 = arith.constant 0 : i32
      %dma_wait3A_195 = tpu.memref_slice %arg4[%mul3A_75, %dma_wait3A_194] : memref<12544x128xi32, #tpu.memory_space<hbm>> -> memref<4x128xi32, #tpu.memory_space<hbm>>
      %dma_wait3A_196 = arith.constant 0 : i32
      %dma_wait3A_197 = arith.constant 0 : i32
      %dma_wait3A_198 = tpu.memref_slice %arg8[%dma_wait3A_189, %dma_wait3A_196, %dma_wait3A_197] : memref<2x4x128xi32, #tpu.memory_space<vmem>> -> memref<1x4x128xi32, #tpu.memory_space<vmem>>
      %dma_wait3A_199 = tpu.memref_squeeze %dma_wait3A_198 : memref<1x4x128xi32, #tpu.memory_space<vmem>> -> memref<4x128xi32, #tpu.memory_space<vmem>>
      %dma_wait3A_200 = arith.constant 0 : i32
      %dma_wait3A_201 = tpu.memref_slice %arg4[%mul3A_75, %dma_wait3A_200] : memref<12544x128xi32, #tpu.memory_space<hbm>> -> memref<4x128xi32, #tpu.memory_space<hbm>>
      tpu.wait_dma2 semaphore(%arg11 : memref<!tpu.dma_semaphore, #tpu.memory_space<semaphore_mem>>) src(%dma_wait3A_201 : memref<4x128xi32, #tpu.memory_space<hbm>>) dst(%dma_wait3A_199 : memref<4x128xi32, #tpu.memory_space<vmem>>)
      %dma_start3A_202 = arith.constant 0 : i32
      %dma_start3A_203 = arith.constant 0 : i32
      %dma_start3A_204 = arith.constant 0 : i32
      %dma_start3A_205 = arith.constant 0 : i32
      %dma_start3A_206 = arith.constant 0 : i32
      %dma_start3A_207 = tpu.memref_slice %arg9[%dma_start3A_204, %dma_start3A_205, %dma_start3A_206] : memref<2x512x32xbf16, #tpu.memory_space<vmem>> -> memref<1x128x32xbf16, #tpu.memory_space<vmem>>
      %dma_start3A_208 = tpu.memref_squeeze %dma_start3A_207 : memref<1x128x32xbf16, #tpu.memory_space<vmem>> -> memref<128x32xbf16, #tpu.memory_space<vmem>>
      %dma_start3A_209 = arith.constant 0 : i32
      %dma_start3A_210 = tpu.memref_slice %arg8[%dma_start3A_202, %dma_start3A_203, %dma_start3A_209] : memref<2x4x128xi32, #tpu.memory_space<vmem>> -> memref<1x1x128xi32, #tpu.memory_space<vmem>>
      %dma_start3A_211 = tpu.memref_squeeze %dma_start3A_210 : memref<1x1x128xi32, #tpu.memory_space<vmem>> -> memref<128xi32, #tpu.memory_space<vmem>>
      %dma_start3A_212 = arith.constant 0 : i32
      %dma_start3A_213 = arith.constant 0 : i32
      %dma_start3A_214 = tpu.memref_slice %arg2[%dma_start3A_212, %dma_start3A_213] : memref<100000x32xbf16, #tpu.memory_space<hbm>> -> memref<100000x32xbf16, #tpu.memory_space<hbm>>
      tpu.enqueue_indirect_dma source(%dma_start3A_214 : memref<100000x32xbf16, #tpu.memory_space<hbm>>) target(%dma_start3A_208 : memref<128x32xbf16, #tpu.memory_space<vmem>>) offsets(%dma_start3A_211 : memref<128xi32, #tpu.memory_space<vmem>>) semaphore(%arg13 : memref<!tpu.dma_semaphore, #tpu.memory_space<semaphore_mem>>)
      %dma_start3A_215 = arith.constant 0 : i32
      %dma_start3A_216 = arith.constant 1 : i32
      %dma_start3A_217 = arith.constant 0 : i32
      %dma_start3A_218 = arith.constant 128 : i32
      %dma_start3A_219 = arith.constant 0 : i32
      %dma_start3A_220 = tpu.memref_slice %arg9[%dma_start3A_217, %dma_start3A_218, %dma_start3A_219] : memref<2x512x32xbf16, #tpu.memory_space<vmem>> -> memref<1x128x32xbf16, #tpu.memory_space<vmem>>
      %dma_start3A_221 = tpu.memref_squeeze %dma_start3A_220 : memref<1x128x32xbf16, #tpu.memory_space<vmem>> -> memref<128x32xbf16, #tpu.memory_space<vmem>>
      %dma_start3A_222 = arith.constant 0 : i32
      %dma_start3A_223 = tpu.memref_slice %arg8[%dma_start3A_215, %dma_start3A_216, %dma_start3A_222] : memref<2x4x128xi32, #tpu.memory_space<vmem>> -> memref<1x1x128xi32, #tpu.memory_space<vmem>>
      %dma_start3A_224 = tpu.memref_squeeze %dma_start3A_223 : memref<1x1x128xi32, #tpu.memory_space<vmem>> -> memref<128xi32, #tpu.memory_space<vmem>>
      %dma_start3A_225 = arith.constant 0 : i32
      %dma_start3A_226 = arith.constant 0 : i32
      %dma_start3A_227 = tpu.memref_slice %arg2[%dma_start3A_225, %dma_start3A_226] : memref<100000x32xbf16, #tpu.memory_space<hbm>> -> memref<100000x32xbf16, #tpu.memory_space<hbm>>
      tpu.enqueue_indirect_dma source(%dma_start3A_227 : memref<100000x32xbf16, #tpu.memory_space<hbm>>) target(%dma_start3A_221 : memref<128x32xbf16, #tpu.memory_space<vmem>>) offsets(%dma_start3A_224 : memref<128xi32, #tpu.memory_space<vmem>>) semaphore(%arg13 : memref<!tpu.dma_semaphore, #tpu.memory_space<semaphore_mem>>)
      %dma_start3A_228 = arith.constant 0 : i32
      %dma_start3A_229 = arith.constant 2 : i32
      %dma_start3A_230 = arith.constant 0 : i32
      %dma_start3A_231 = arith.constant 256 : i32
      %dma_start3A_232 = arith.constant 0 : i32
      %dma_start3A_233 = tpu.memref_slice %arg9[%dma_start3A_230, %dma_start3A_231, %dma_start3A_232] : memref<2x512x32xbf16, #tpu.memory_space<vmem>> -> memref<1x128x32xbf16, #tpu.memory_space<vmem>>
      %dma_start3A_234 = tpu.memref_squeeze %dma_start3A_233 : memref<1x128x32xbf16, #tpu.memory_space<vmem>> -> memref<128x32xbf16, #tpu.memory_space<vmem>>
      %dma_start3A_235 = arith.constant 0 : i32
      %dma_start3A_236 = tpu.memref_slice %arg8[%dma_start3A_228, %dma_start3A_229, %dma_start3A_235] : memref<2x4x128xi32, #tpu.memory_space<vmem>> -> memref<1x1x128xi32, #tpu.memory_space<vmem>>
      %dma_start3A_237 = tpu.memref_squeeze %dma_start3A_236 : memref<1x1x128xi32, #tpu.memory_space<vmem>> -> memref<128xi32, #tpu.memory_space<vmem>>
      %dma_start3A_238 = arith.constant 0 : i32
      %dma_start3A_239 = arith.constant 0 : i32
      %dma_start3A_240 = tpu.memref_slice %arg2[%dma_start3A_238, %dma_start3A_239] : memref<100000x32xbf16, #tpu.memory_space<hbm>> -> memref<100000x32xbf16, #tpu.memory_space<hbm>>
      tpu.enqueue_indirect_dma source(%dma_start3A_240 : memref<100000x32xbf16, #tpu.memory_space<hbm>>) target(%dma_start3A_234 : memref<128x32xbf16, #tpu.memory_space<vmem>>) offsets(%dma_start3A_237 : memref<128xi32, #tpu.memory_space<vmem>>) semaphore(%arg13 : memref<!tpu.dma_semaphore, #tpu.memory_space<semaphore_mem>>)
      %dma_start3A_241 = arith.constant 0 : i32
      %dma_start3A_242 = arith.constant 3 : i32
      %dma_start3A_243 = arith.constant 0 : i32
      %dma_start3A_244 = arith.constant 384 : i32
      %dma_start3A_245 = arith.constant 0 : i32
      %dma_start3A_246 = tpu.memref_slice %arg9[%dma_start3A_243, %dma_start3A_244, %dma_start3A_245] : memref<2x512x32xbf16, #tpu.memory_space<vmem>> -> memref<1x128x32xbf16, #tpu.memory_space<vmem>>
      %dma_start3A_247 = tpu.memref_squeeze %dma_start3A_246 : memref<1x128x32xbf16, #tpu.memory_space<vmem>> -> memref<128x32xbf16, #tpu.memory_space<vmem>>
      %dma_start3A_248 = arith.constant 0 : i32
      %dma_start3A_249 = tpu.memref_slice %arg8[%dma_start3A_241, %dma_start3A_242, %dma_start3A_248] : memref<2x4x128xi32, #tpu.memory_space<vmem>> -> memref<1x1x128xi32, #tpu.memory_space<vmem>>
      %dma_start3A_250 = tpu.memref_squeeze %dma_start3A_249 : memref<1x1x128xi32, #tpu.memory_space<vmem>> -> memref<128xi32, #tpu.memory_space<vmem>>
      %dma_start3A_251 = arith.constant 0 : i32
      %dma_start3A_252 = arith.constant 0 : i32
      %dma_start3A_253 = tpu.memref_slice %arg2[%dma_start3A_251, %dma_start3A_252] : memref<100000x32xbf16, #tpu.memory_space<hbm>> -> memref<100000x32xbf16, #tpu.memory_space<hbm>>
      tpu.enqueue_indirect_dma source(%dma_start3A_253 : memref<100000x32xbf16, #tpu.memory_space<hbm>>) target(%dma_start3A_247 : memref<128x32xbf16, #tpu.memory_space<vmem>>) offsets(%dma_start3A_250 : memref<128xi32, #tpu.memory_space<vmem>>) semaphore(%arg13 : memref<!tpu.dma_semaphore, #tpu.memory_space<semaphore_mem>>)
      %dma_wait3A_254 = arith.constant 0 : i32
      %dma_wait3A_255 = arith.constant 0 : i32
      %dma_wait3A_256 = arith.constant 0 : i32
      %dma_wait3A_257 = arith.constant 0 : i32
      %dma_wait3A_258 = arith.constant 0 : i32
      %dma_wait3A_259 = tpu.memref_slice %arg9[%dma_wait3A_256, %dma_wait3A_257, %dma_wait3A_258] : memref<2x512x32xbf16, #tpu.memory_space<vmem>> -> memref<1x128x32xbf16, #tpu.memory_space<vmem>>
      %dma_wait3A_260 = tpu.memref_squeeze %dma_wait3A_259 : memref<1x128x32xbf16, #tpu.memory_space<vmem>> -> memref<128x32xbf16, #tpu.memory_space<vmem>>
      %dma_wait3A_261 = arith.constant 0 : i32
      %dma_wait3A_262 = tpu.memref_slice %arg8[%dma_wait3A_254, %dma_wait3A_255, %dma_wait3A_261] : memref<2x4x128xi32, #tpu.memory_space<vmem>> -> memref<1x1x128xi32, #tpu.memory_space<vmem>>
      %dma_wait3A_263 = tpu.memref_squeeze %dma_wait3A_262 : memref<1x1x128xi32, #tpu.memory_space<vmem>> -> memref<128xi32, #tpu.memory_space<vmem>>
      %dma_wait3A_264 = arith.constant 0 : i32
      %dma_wait3A_265 = arith.constant 0 : i32
      %dma_wait3A_266 = tpu.memref_slice %arg2[%dma_wait3A_264, %dma_wait3A_265] : memref<100000x32xbf16, #tpu.memory_space<hbm>> -> memref<100000x32xbf16, #tpu.memory_space<hbm>>
      tpu.wait_indirect_dma semaphore(%arg13 : memref<!tpu.dma_semaphore, #tpu.memory_space<semaphore_mem>>) src(%dma_wait3A_266 : memref<100000x32xbf16, #tpu.memory_space<hbm>>) dst(%dma_wait3A_260 : memref<128x32xbf16, #tpu.memory_space<vmem>>)
      %dma_wait3A_267 = arith.constant 0 : i32
      %dma_wait3A_268 = arith.constant 1 : i32
      %dma_wait3A_269 = arith.constant 0 : i32
      %dma_wait3A_270 = arith.constant 128 : i32
      %dma_wait3A_271 = arith.constant 0 : i32
      %dma_wait3A_272 = tpu.memref_slice %arg9[%dma_wait3A_269, %dma_wait3A_270, %dma_wait3A_271] : memref<2x512x32xbf16, #tpu.memory_space<vmem>> -> memref<1x128x32xbf16, #tpu.memory_space<vmem>>
      %dma_wait3A_273 = tpu.memref_squeeze %dma_wait3A_272 : memref<1x128x32xbf16, #tpu.memory_space<vmem>> -> memref<128x32xbf16, #tpu.memory_space<vmem>>
      %dma_wait3A_274 = arith.constant 0 : i32
      %dma_wait3A_275 = tpu.memref_slice %arg8[%dma_wait3A_267, %dma_wait3A_268, %dma_wait3A_274] : memref<2x4x128xi32, #tpu.memory_space<vmem>> -> memref<1x1x128xi32, #tpu.memory_space<vmem>>
      %dma_wait3A_276 = tpu.memref_squeeze %dma_wait3A_275 : memref<1x1x128xi32, #tpu.memory_space<vmem>> -> memref<128xi32, #tpu.memory_space<vmem>>
      %dma_wait3A_277 = arith.constant 0 : i32
      %dma_wait3A_278 = arith.constant 0 : i32
      %dma_wait3A_279 = tpu.memref_slice %arg2[%dma_wait3A_277, %dma_wait3A_278] : memref<100000x32xbf16, #tpu.memory_space<hbm>> -> memref<100000x32xbf16, #tpu.memory_space<hbm>>
      tpu.wait_indirect_dma semaphore(%arg13 : memref<!tpu.dma_semaphore, #tpu.memory_space<semaphore_mem>>) src(%dma_wait3A_279 : memref<100000x32xbf16, #tpu.memory_space<hbm>>) dst(%dma_wait3A_273 : memref<128x32xbf16, #tpu.memory_space<vmem>>)
      %dma_wait3A_280 = arith.constant 0 : i32
      %dma_wait3A_281 = arith.constant 2 : i32
      %dma_wait3A_282 = arith.constant 0 : i32
      %dma_wait3A_283 = arith.constant 256 : i32
      %dma_wait3A_284 = arith.constant 0 : i32
      %dma_wait3A_285 = tpu.memref_slice %arg9[%dma_wait3A_282, %dma_wait3A_283, %dma_wait3A_284] : memref<2x512x32xbf16, #tpu.memory_space<vmem>> -> memref<1x128x32xbf16, #tpu.memory_space<vmem>>
      %dma_wait3A_286 = tpu.memref_squeeze %dma_wait3A_285 : memref<1x128x32xbf16, #tpu.memory_space<vmem>> -> memref<128x32xbf16, #tpu.memory_space<vmem>>
      %dma_wait3A_287 = arith.constant 0 : i32
      %dma_wait3A_288 = tpu.memref_slice %arg8[%dma_wait3A_280, %dma_wait3A_281, %dma_wait3A_287] : memref<2x4x128xi32, #tpu.memory_space<vmem>> -> memref<1x1x128xi32, #tpu.memory_space<vmem>>
      %dma_wait3A_289 = tpu.memref_squeeze %dma_wait3A_288 : memref<1x1x128xi32, #tpu.memory_space<vmem>> -> memref<128xi32, #tpu.memory_space<vmem>>
      %dma_wait3A_290 = arith.constant 0 : i32
      %dma_wait3A_291 = arith.constant 0 : i32
      %dma_wait3A_292 = tpu.memref_slice %arg2[%dma_wait3A_290, %dma_wait3A_291] : memref<100000x32xbf16, #tpu.memory_space<hbm>> -> memref<100000x32xbf16, #tpu.memory_space<hbm>>
      tpu.wait_indirect_dma semaphore(%arg13 : memref<!tpu.dma_semaphore, #tpu.memory_space<semaphore_mem>>) src(%dma_wait3A_292 : memref<100000x32xbf16, #tpu.memory_space<hbm>>) dst(%dma_wait3A_286 : memref<128x32xbf16, #tpu.memory_space<vmem>>)
      %dma_wait3A_293 = arith.constant 0 : i32
      %dma_wait3A_294 = arith.constant 3 : i32
      %dma_wait3A_295 = arith.constant 0 : i32
      %dma_wait3A_296 = arith.constant 384 : i32
      %dma_wait3A_297 = arith.constant 0 : i32
      %dma_wait3A_298 = tpu.memref_slice %arg9[%dma_wait3A_295, %dma_wait3A_296, %dma_wait3A_297] : memref<2x512x32xbf16, #tpu.memory_space<vmem>> -> memref<1x128x32xbf16, #tpu.memory_space<vmem>>
      %dma_wait3A_299 = tpu.memref_squeeze %dma_wait3A_298 : memref<1x128x32xbf16, #tpu.memory_space<vmem>> -> memref<128x32xbf16, #tpu.memory_space<vmem>>
      %dma_wait3A_300 = arith.constant 0 : i32
      %dma_wait3A_301 = tpu.memref_slice %arg8[%dma_wait3A_293, %dma_wait3A_294, %dma_wait3A_300] : memref<2x4x128xi32, #tpu.memory_space<vmem>> -> memref<1x1x128xi32, #tpu.memory_space<vmem>>
      %dma_wait3A_302 = tpu.memref_squeeze %dma_wait3A_301 : memref<1x1x128xi32, #tpu.memory_space<vmem>> -> memref<128xi32, #tpu.memory_space<vmem>>
      %dma_wait3A_303 = arith.constant 0 : i32
      %dma_wait3A_304 = arith.constant 0 : i32
      %dma_wait3A_305 = tpu.memref_slice %arg2[%dma_wait3A_303, %dma_wait3A_304] : memref<100000x32xbf16, #tpu.memory_space<hbm>> -> memref<100000x32xbf16, #tpu.memory_space<hbm>>
      tpu.wait_indirect_dma semaphore(%arg13 : memref<!tpu.dma_semaphore, #tpu.memory_space<semaphore_mem>>) src(%dma_wait3A_305 : memref<100000x32xbf16, #tpu.memory_space<hbm>>) dst(%dma_wait3A_299 : memref<128x32xbf16, #tpu.memory_space<vmem>>)
      %ge3A = arith.constant 1 : i32
      %ge3A_306 = arith.cmpi sge, %add3A_175, %ge3A : i32
      %convert_element_type3A_307 = arith.extui %ge3A_306 : i1 to i32
      %cond3A_308 = arith.constant 0 : i32
      %cond3A_309 = arith.cmpi ne, %convert_element_type3A_307, %cond3A_308 : i32
      scf.if %cond3A_309 {
        %dma_wait3A_566 = arith.constant 1 : i32
        %dma_wait3A_567 = arith.constant 1 : i32
        %dma_wait3A_568 = arith.constant 0 : i32
        %dma_wait3A_569 = arith.constant 0 : i32
        %dma_wait3A_570 = arith.constant 0 : i32
        %dma_wait3A_571 = tpu.memref_slice %arg9[%dma_wait3A_566, %dma_wait3A_569, %dma_wait3A_570] : memref<2x512x32xbf16, #tpu.memory_space<vmem>> -> memref<1x128x32xbf16, #tpu.memory_space<vmem>>
        %dma_wait3A_572 = tpu.memref_squeeze %dma_wait3A_571 : memref<1x128x32xbf16, #tpu.memory_space<vmem>> -> memref<128x32xbf16, #tpu.memory_space<vmem>>
        %dma_wait3A_573 = arith.constant 0 : i32
        %dma_wait3A_574 = tpu.memref_slice %arg7[%dma_wait3A_567, %dma_wait3A_568, %dma_wait3A_573] : memref<2x4x128xi32, #tpu.memory_space<vmem>> -> memref<1x1x128xi32, #tpu.memory_space<vmem>>
        %dma_wait3A_575 = tpu.memref_squeeze %dma_wait3A_574 : memref<1x1x128xi32, #tpu.memory_space<vmem>> -> memref<128xi32, #tpu.memory_space<vmem>>
        %dma_wait3A_576 = arith.constant 0 : i32
        %dma_wait3A_577 = arith.constant 0 : i32
        %dma_wait3A_578 = tpu.memref_slice %arg10[%dma_wait3A_576, %dma_wait3A_577] : memref<100008x32xbf16, #tpu.memory_space<vmem_shared>> -> memref<100008x32xbf16, #tpu.memory_space<vmem_shared>>
        tpu.wait_indirect_dma semaphore(%arg15 : memref<!tpu.dma_semaphore, #tpu.memory_space<semaphore_mem>>) src(%dma_wait3A_572 : memref<128x32xbf16, #tpu.memory_space<vmem>>) dst(%dma_wait3A_578 : memref<100008x32xbf16, #tpu.memory_space<vmem_shared>>)
        %dma_wait3A_579 = arith.constant 1 : i32
        %dma_wait3A_580 = arith.constant 1 : i32
        %dma_wait3A_581 = arith.constant 1 : i32
        %dma_wait3A_582 = arith.constant 128 : i32
        %dma_wait3A_583 = arith.constant 0 : i32
        %dma_wait3A_584 = tpu.memref_slice %arg9[%dma_wait3A_579, %dma_wait3A_582, %dma_wait3A_583] : memref<2x512x32xbf16, #tpu.memory_space<vmem>> -> memref<1x128x32xbf16, #tpu.memory_space<vmem>>
        %dma_wait3A_585 = tpu.memref_squeeze %dma_wait3A_584 : memref<1x128x32xbf16, #tpu.memory_space<vmem>> -> memref<128x32xbf16, #tpu.memory_space<vmem>>
        %dma_wait3A_586 = arith.constant 0 : i32
        %dma_wait3A_587 = tpu.memref_slice %arg7[%dma_wait3A_580, %dma_wait3A_581, %dma_wait3A_586] : memref<2x4x128xi32, #tpu.memory_space<vmem>> -> memref<1x1x128xi32, #tpu.memory_space<vmem>>
        %dma_wait3A_588 = tpu.memref_squeeze %dma_wait3A_587 : memref<1x1x128xi32, #tpu.memory_space<vmem>> -> memref<128xi32, #tpu.memory_space<vmem>>
        %dma_wait3A_589 = arith.constant 0 : i32
        %dma_wait3A_590 = arith.constant 0 : i32
        %dma_wait3A_591 = tpu.memref_slice %arg10[%dma_wait3A_589, %dma_wait3A_590] : memref<100008x32xbf16, #tpu.memory_space<vmem_shared>> -> memref<100008x32xbf16, #tpu.memory_space<vmem_shared>>
        tpu.wait_indirect_dma semaphore(%arg15 : memref<!tpu.dma_semaphore, #tpu.memory_space<semaphore_mem>>) src(%dma_wait3A_585 : memref<128x32xbf16, #tpu.memory_space<vmem>>) dst(%dma_wait3A_591 : memref<100008x32xbf16, #tpu.memory_space<vmem_shared>>)
        %dma_wait3A_592 = arith.constant 1 : i32
        %dma_wait3A_593 = arith.constant 1 : i32
        %dma_wait3A_594 = arith.constant 2 : i32
        %dma_wait3A_595 = arith.constant 256 : i32
        %dma_wait3A_596 = arith.constant 0 : i32
        %dma_wait3A_597 = tpu.memref_slice %arg9[%dma_wait3A_592, %dma_wait3A_595, %dma_wait3A_596] : memref<2x512x32xbf16, #tpu.memory_space<vmem>> -> memref<1x128x32xbf16, #tpu.memory_space<vmem>>
        %dma_wait3A_598 = tpu.memref_squeeze %dma_wait3A_597 : memref<1x128x32xbf16, #tpu.memory_space<vmem>> -> memref<128x32xbf16, #tpu.memory_space<vmem>>
        %dma_wait3A_599 = arith.constant 0 : i32
        %dma_wait3A_600 = tpu.memref_slice %arg7[%dma_wait3A_593, %dma_wait3A_594, %dma_wait3A_599] : memref<2x4x128xi32, #tpu.memory_space<vmem>> -> memref<1x1x128xi32, #tpu.memory_space<vmem>>
        %dma_wait3A_601 = tpu.memref_squeeze %dma_wait3A_600 : memref<1x1x128xi32, #tpu.memory_space<vmem>> -> memref<128xi32, #tpu.memory_space<vmem>>
        %dma_wait3A_602 = arith.constant 0 : i32
        %dma_wait3A_603 = arith.constant 0 : i32
        %dma_wait3A_604 = tpu.memref_slice %arg10[%dma_wait3A_602, %dma_wait3A_603] : memref<100008x32xbf16, #tpu.memory_space<vmem_shared>> -> memref<100008x32xbf16, #tpu.memory_space<vmem_shared>>
        tpu.wait_indirect_dma semaphore(%arg15 : memref<!tpu.dma_semaphore, #tpu.memory_space<semaphore_mem>>) src(%dma_wait3A_598 : memref<128x32xbf16, #tpu.memory_space<vmem>>) dst(%dma_wait3A_604 : memref<100008x32xbf16, #tpu.memory_space<vmem_shared>>)
        %dma_wait3A_605 = arith.constant 1 : i32
        %dma_wait3A_606 = arith.constant 1 : i32
        %dma_wait3A_607 = arith.constant 3 : i32
        %dma_wait3A_608 = arith.constant 384 : i32
        %dma_wait3A_609 = arith.constant 0 : i32
        %dma_wait3A_610 = tpu.memref_slice %arg9[%dma_wait3A_605, %dma_wait3A_608, %dma_wait3A_609] : memref<2x512x32xbf16, #tpu.memory_space<vmem>> -> memref<1x128x32xbf16, #tpu.memory_space<vmem>>
        %dma_wait3A_611 = tpu.memref_squeeze %dma_wait3A_610 : memref<1x128x32xbf16, #tpu.memory_space<vmem>> -> memref<128x32xbf16, #tpu.memory_space<vmem>>
        %dma_wait3A_612 = arith.constant 0 : i32
        %dma_wait3A_613 = tpu.memref_slice %arg7[%dma_wait3A_606, %dma_wait3A_607, %dma_wait3A_612] : memref<2x4x128xi32, #tpu.memory_space<vmem>> -> memref<1x1x128xi32, #tpu.memory_space<vmem>>
        %dma_wait3A_614 = tpu.memref_squeeze %dma_wait3A_613 : memref<1x1x128xi32, #tpu.memory_space<vmem>> -> memref<128xi32, #tpu.memory_space<vmem>>
        %dma_wait3A_615 = arith.constant 0 : i32
        %dma_wait3A_616 = arith.constant 0 : i32
        %dma_wait3A_617 = tpu.memref_slice %arg10[%dma_wait3A_615, %dma_wait3A_616] : memref<100008x32xbf16, #tpu.memory_space<vmem_shared>> -> memref<100008x32xbf16, #tpu.memory_space<vmem_shared>>
        tpu.wait_indirect_dma semaphore(%arg15 : memref<!tpu.dma_semaphore, #tpu.memory_space<semaphore_mem>>) src(%dma_wait3A_611 : memref<128x32xbf16, #tpu.memory_space<vmem>>) dst(%dma_wait3A_617 : memref<100008x32xbf16, #tpu.memory_space<vmem_shared>>)
      } else {
      }
      %dma_start3A_310 = arith.constant 0 : i32
      %dma_start3A_311 = arith.constant 0 : i32
      %dma_start3A_312 = arith.constant 0 : i32
      %dma_start3A_313 = arith.constant 0 : i32
      %dma_start3A_314 = arith.constant 0 : i32
      %dma_start3A_315 = tpu.memref_slice %arg9[%dma_start3A_310, %dma_start3A_313, %dma_start3A_314] : memref<2x512x32xbf16, #tpu.memory_space<vmem>> -> memref<1x128x32xbf16, #tpu.memory_space<vmem>>
      %dma_start3A_316 = tpu.memref_squeeze %dma_start3A_315 : memref<1x128x32xbf16, #tpu.memory_space<vmem>> -> memref<128x32xbf16, #tpu.memory_space<vmem>>
      %dma_start3A_317 = arith.constant 0 : i32
      %dma_start3A_318 = tpu.memref_slice %arg7[%dma_start3A_311, %dma_start3A_312, %dma_start3A_317] : memref<2x4x128xi32, #tpu.memory_space<vmem>> -> memref<1x1x128xi32, #tpu.memory_space<vmem>>
      %dma_start3A_319 = tpu.memref_squeeze %dma_start3A_318 : memref<1x1x128xi32, #tpu.memory_space<vmem>> -> memref<128xi32, #tpu.memory_space<vmem>>
      %dma_start3A_320 = arith.constant 0 : i32
      %dma_start3A_321 = arith.constant 0 : i32
      %dma_start3A_322 = tpu.memref_slice %arg10[%dma_start3A_320, %dma_start3A_321] : memref<100008x32xbf16, #tpu.memory_space<vmem_shared>> -> memref<100008x32xbf16, #tpu.memory_space<vmem_shared>>
      tpu.enqueue_indirect_dma source(%dma_start3A_316 : memref<128x32xbf16, #tpu.memory_space<vmem>>) target(%dma_start3A_322 : memref<100008x32xbf16, #tpu.memory_space<vmem_shared>>) offsets(%dma_start3A_319 : memref<128xi32, #tpu.memory_space<vmem>>) semaphore(%arg14 : memref<!tpu.dma_semaphore, #tpu.memory_space<semaphore_mem>>) {add = true}
      %dma_start3A_323 = arith.constant 0 : i32
      %dma_start3A_324 = arith.constant 0 : i32
      %dma_start3A_325 = arith.constant 1 : i32
      %dma_start3A_326 = arith.constant 128 : i32
      %dma_start3A_327 = arith.constant 0 : i32
      %dma_start3A_328 = tpu.memref_slice %arg9[%dma_start3A_323, %dma_start3A_326, %dma_start3A_327] : memref<2x512x32xbf16, #tpu.memory_space<vmem>> -> memref<1x128x32xbf16, #tpu.memory_space<vmem>>
      %dma_start3A_329 = tpu.memref_squeeze %dma_start3A_328 : memref<1x128x32xbf16, #tpu.memory_space<vmem>> -> memref<128x32xbf16, #tpu.memory_space<vmem>>
      %dma_start3A_330 = arith.constant 0 : i32
      %dma_start3A_331 = tpu.memref_slice %arg7[%dma_start3A_324, %dma_start3A_325, %dma_start3A_330] : memref<2x4x128xi32, #tpu.memory_space<vmem>> -> memref<1x1x128xi32, #tpu.memory_space<vmem>>
      %dma_start3A_332 = tpu.memref_squeeze %dma_start3A_331 : memref<1x1x128xi32, #tpu.memory_space<vmem>> -> memref<128xi32, #tpu.memory_space<vmem>>
      %dma_start3A_333 = arith.constant 0 : i32
      %dma_start3A_334 = arith.constant 0 : i32
      %dma_start3A_335 = tpu.memref_slice %arg10[%dma_start3A_333, %dma_start3A_334] : memref<100008x32xbf16, #tpu.memory_space<vmem_shared>> -> memref<100008x32xbf16, #tpu.memory_space<vmem_shared>>
      tpu.enqueue_indirect_dma source(%dma_start3A_329 : memref<128x32xbf16, #tpu.memory_space<vmem>>) target(%dma_start3A_335 : memref<100008x32xbf16, #tpu.memory_space<vmem_shared>>) offsets(%dma_start3A_332 : memref<128xi32, #tpu.memory_space<vmem>>) semaphore(%arg14 : memref<!tpu.dma_semaphore, #tpu.memory_space<semaphore_mem>>) {add = true}
      %dma_start3A_336 = arith.constant 0 : i32
      %dma_start3A_337 = arith.constant 0 : i32
      %dma_start3A_338 = arith.constant 2 : i32
      %dma_start3A_339 = arith.constant 256 : i32
      %dma_start3A_340 = arith.constant 0 : i32
      %dma_start3A_341 = tpu.memref_slice %arg9[%dma_start3A_336, %dma_start3A_339, %dma_start3A_340] : memref<2x512x32xbf16, #tpu.memory_space<vmem>> -> memref<1x128x32xbf16, #tpu.memory_space<vmem>>
      %dma_start3A_342 = tpu.memref_squeeze %dma_start3A_341 : memref<1x128x32xbf16, #tpu.memory_space<vmem>> -> memref<128x32xbf16, #tpu.memory_space<vmem>>
      %dma_start3A_343 = arith.constant 0 : i32
      %dma_start3A_344 = tpu.memref_slice %arg7[%dma_start3A_337, %dma_start3A_338, %dma_start3A_343] : memref<2x4x128xi32, #tpu.memory_space<vmem>> -> memref<1x1x128xi32, #tpu.memory_space<vmem>>
      %dma_start3A_345 = tpu.memref_squeeze %dma_start3A_344 : memref<1x1x128xi32, #tpu.memory_space<vmem>> -> memref<128xi32, #tpu.memory_space<vmem>>
      %dma_start3A_346 = arith.constant 0 : i32
      %dma_start3A_347 = arith.constant 0 : i32
      %dma_start3A_348 = tpu.memref_slice %arg10[%dma_start3A_346, %dma_start3A_347] : memref<100008x32xbf16, #tpu.memory_space<vmem_shared>> -> memref<100008x32xbf16, #tpu.memory_space<vmem_shared>>
      tpu.enqueue_indirect_dma source(%dma_start3A_342 : memref<128x32xbf16, #tpu.memory_space<vmem>>) target(%dma_start3A_348 : memref<100008x32xbf16, #tpu.memory_space<vmem_shared>>) offsets(%dma_start3A_345 : memref<128xi32, #tpu.memory_space<vmem>>) semaphore(%arg14 : memref<!tpu.dma_semaphore, #tpu.memory_space<semaphore_mem>>) {add = true}
      %dma_start3A_349 = arith.constant 0 : i32
      %dma_start3A_350 = arith.constant 0 : i32
      %dma_start3A_351 = arith.constant 3 : i32
      %dma_start3A_352 = arith.constant 384 : i32
      %dma_start3A_353 = arith.constant 0 : i32
      %dma_start3A_354 = tpu.memref_slice %arg9[%dma_start3A_349, %dma_start3A_352, %dma_start3A_353] : memref<2x512x32xbf16, #tpu.memory_space<vmem>> -> memref<1x128x32xbf16, #tpu.memory_space<vmem>>
      %dma_start3A_355 = tpu.memref_squeeze %dma_start3A_354 : memref<1x128x32xbf16, #tpu.memory_space<vmem>> -> memref<128x32xbf16, #tpu.memory_space<vmem>>
      %dma_start3A_356 = arith.constant 0 : i32
      %dma_start3A_357 = tpu.memref_slice %arg7[%dma_start3A_350, %dma_start3A_351, %dma_start3A_356] : memref<2x4x128xi32, #tpu.memory_space<vmem>> -> memref<1x1x128xi32, #tpu.memory_space<vmem>>
      %dma_start3A_358 = tpu.memref_squeeze %dma_start3A_357 : memref<1x1x128xi32, #tpu.memory_space<vmem>> -> memref<128xi32, #tpu.memory_space<vmem>>
      %dma_start3A_359 = arith.constant 0 : i32
      %dma_start3A_360 = arith.constant 0 : i32
      %dma_start3A_361 = tpu.memref_slice %arg10[%dma_start3A_359, %dma_start3A_360] : memref<100008x32xbf16, #tpu.memory_space<vmem_shared>> -> memref<100008x32xbf16, #tpu.memory_space<vmem_shared>>
      tpu.enqueue_indirect_dma source(%dma_start3A_355 : memref<128x32xbf16, #tpu.memory_space<vmem>>) target(%dma_start3A_361 : memref<100008x32xbf16, #tpu.memory_space<vmem_shared>>) offsets(%dma_start3A_358 : memref<128xi32, #tpu.memory_space<vmem>>) semaphore(%arg14 : memref<!tpu.dma_semaphore, #tpu.memory_space<semaphore_mem>>) {add = true}
      %add3A_362 = arith.constant 1 : i32
      %add3A_363 = arith.addi %add3A_175, %add3A_362 : i32
      %lt3A = arith.constant 98 : i32
      %lt3A_364 = arith.cmpi slt, %add3A_363, %lt3A : i32
      %convert_element_type3A_365 = arith.extui %lt3A_364 : i1 to i32
      %cond3A_366 = arith.constant 0 : i32
      %cond3A_367 = arith.cmpi ne, %convert_element_type3A_365, %cond3A_366 : i32
      scf.if %cond3A_367 {
        %add3A_566 = arith.constant 1 : i32
        %add3A_567 = arith.addi %add3A_175, %add3A_566 : i32
        %mul3A_568 = arith.constant 4 : i32
        %mul3A_569 = arith.muli %add3A_567, %mul3A_568 : i32
        %add3A_570 = arith.addi %mul3A_75, %mul3A_569 : i32
        %dma_start3A_571 = arith.constant 1 : i32
        %dma_start3A_572 = arith.constant 0 : i32
        %dma_start3A_573 = arith.constant 0 : i32
        %dma_start3A_574 = tpu.memref_slice %arg7[%dma_start3A_571, %dma_start3A_572, %dma_start3A_573] : memref<2x4x128xi32, #tpu.memory_space<vmem>> -> memref<1x4x128xi32, #tpu.memory_space<vmem>>
        %dma_start3A_575 = tpu.memref_squeeze %dma_start3A_574 : memref<1x4x128xi32, #tpu.memory_space<vmem>> -> memref<4x128xi32, #tpu.memory_space<vmem>>
        %dma_start3A_576 = arith.constant 0 : i32
        %dma_start3A_577 = tpu.memref_slice %arg3[%add3A_570, %dma_start3A_576] : memref<12544x128xi32, #tpu.memory_space<hbm>> -> memref<4x128xi32, #tpu.memory_space<hbm>>
        %dma_start3A_578 = arith.constant 0 : i32
        %dma_start3A_579 = arith.constant 0 : i32
        %dma_start3A_580 = tpu.memref_slice %arg7[%dma_start3A_571, %dma_start3A_578, %dma_start3A_579] : memref<2x4x128xi32, #tpu.memory_space<vmem>> -> memref<1x4x128xi32, #tpu.memory_space<vmem>>
        %dma_start3A_581 = tpu.memref_squeeze %dma_start3A_580 : memref<1x4x128xi32, #tpu.memory_space<vmem>> -> memref<4x128xi32, #tpu.memory_space<vmem>>
        %dma_start3A_582 = arith.constant 0 : i32
        %dma_start3A_583 = tpu.memref_slice %arg3[%add3A_570, %dma_start3A_582] : memref<12544x128xi32, #tpu.memory_space<hbm>> -> memref<4x128xi32, #tpu.memory_space<hbm>>
        tpu.enqueue_dma source(%dma_start3A_583 : memref<4x128xi32, #tpu.memory_space<hbm>>) target(%dma_start3A_581 : memref<4x128xi32, #tpu.memory_space<vmem>>) target_semaphore(%arg12 : memref<!tpu.dma_semaphore, #tpu.memory_space<semaphore_mem>>)
        %dma_start3A_584 = arith.constant 1 : i32
        %dma_start3A_585 = arith.constant 0 : i32
        %dma_start3A_586 = arith.constant 0 : i32
        %dma_start3A_587 = tpu.memref_slice %arg8[%dma_start3A_584, %dma_start3A_585, %dma_start3A_586] : memref<2x4x128xi32, #tpu.memory_space<vmem>> -> memref<1x4x128xi32, #tpu.memory_space<vmem>>
        %dma_start3A_588 = tpu.memref_squeeze %dma_start3A_587 : memref<1x4x128xi32, #tpu.memory_space<vmem>> -> memref<4x128xi32, #tpu.memory_space<vmem>>
        %dma_start3A_589 = arith.constant 0 : i32
        %dma_start3A_590 = tpu.memref_slice %arg4[%add3A_570, %dma_start3A_589] : memref<12544x128xi32, #tpu.memory_space<hbm>> -> memref<4x128xi32, #tpu.memory_space<hbm>>
        %dma_start3A_591 = arith.constant 0 : i32
        %dma_start3A_592 = arith.constant 0 : i32
        %dma_start3A_593 = tpu.memref_slice %arg8[%dma_start3A_584, %dma_start3A_591, %dma_start3A_592] : memref<2x4x128xi32, #tpu.memory_space<vmem>> -> memref<1x4x128xi32, #tpu.memory_space<vmem>>
        %dma_start3A_594 = tpu.memref_squeeze %dma_start3A_593 : memref<1x4x128xi32, #tpu.memory_space<vmem>> -> memref<4x128xi32, #tpu.memory_space<vmem>>
        %dma_start3A_595 = arith.constant 0 : i32
        %dma_start3A_596 = tpu.memref_slice %arg4[%add3A_570, %dma_start3A_595] : memref<12544x128xi32, #tpu.memory_space<hbm>> -> memref<4x128xi32, #tpu.memory_space<hbm>>
        tpu.enqueue_dma source(%dma_start3A_596 : memref<4x128xi32, #tpu.memory_space<hbm>>) target(%dma_start3A_594 : memref<4x128xi32, #tpu.memory_space<vmem>>) target_semaphore(%arg12 : memref<!tpu.dma_semaphore, #tpu.memory_space<semaphore_mem>>)
      } else {
      }
      %mul3A_368 = arith.constant 2 : i32
      %mul3A_369 = arith.muli %mul3A_368, %scan3A_171 : i32
      %add3A_370 = arith.constant 1 : i32
      %add3A_371 = arith.addi %mul3A_369, %add3A_370 : i32
      %dma_wait3A_372 = arith.constant 1 : i32
      %dma_wait3A_373 = arith.constant 0 : i32
      %dma_wait3A_374 = arith.constant 0 : i32
      %dma_wait3A_375 = tpu.memref_slice %arg7[%dma_wait3A_372, %dma_wait3A_373, %dma_wait3A_374] : memref<2x4x128xi32, #tpu.memory_space<vmem>> -> memref<1x4x128xi32, #tpu.memory_space<vmem>>
      %dma_wait3A_376 = tpu.memref_squeeze %dma_wait3A_375 : memref<1x4x128xi32, #tpu.memory_space<vmem>> -> memref<4x128xi32, #tpu.memory_space<vmem>>
      %dma_wait3A_377 = arith.constant 0 : i32
      %dma_wait3A_378 = tpu.memref_slice %arg3[%mul3A_75, %dma_wait3A_377] : memref<12544x128xi32, #tpu.memory_space<hbm>> -> memref<4x128xi32, #tpu.memory_space<hbm>>
      %dma_wait3A_379 = arith.constant 0 : i32
      %dma_wait3A_380 = arith.constant 0 : i32
      %dma_wait3A_381 = tpu.memref_slice %arg7[%dma_wait3A_372, %dma_wait3A_379, %dma_wait3A_380] : memref<2x4x128xi32, #tpu.memory_space<vmem>> -> memref<1x4x128xi32, #tpu.memory_space<vmem>>
      %dma_wait3A_382 = tpu.memref_squeeze %dma_wait3A_381 : memref<1x4x128xi32, #tpu.memory_space<vmem>> -> memref<4x128xi32, #tpu.memory_space<vmem>>
      %dma_wait3A_383 = arith.constant 0 : i32
      %dma_wait3A_384 = tpu.memref_slice %arg3[%mul3A_75, %dma_wait3A_383] : memref<12544x128xi32, #tpu.memory_space<hbm>> -> memref<4x128xi32, #tpu.memory_space<hbm>>
      tpu.wait_dma2 semaphore(%arg12 : memref<!tpu.dma_semaphore, #tpu.memory_space<semaphore_mem>>) src(%dma_wait3A_384 : memref<4x128xi32, #tpu.memory_space<hbm>>) dst(%dma_wait3A_382 : memref<4x128xi32, #tpu.memory_space<vmem>>)
      %dma_wait3A_385 = arith.constant 1 : i32
      %dma_wait3A_386 = arith.constant 0 : i32
      %dma_wait3A_387 = arith.constant 0 : i32
      %dma_wait3A_388 = tpu.memref_slice %arg8[%dma_wait3A_385, %dma_wait3A_386, %dma_wait3A_387] : memref<2x4x128xi32, #tpu.memory_space<vmem>> -> memref<1x4x128xi32, #tpu.memory_space<vmem>>
      %dma_wait3A_389 = tpu.memref_squeeze %dma_wait3A_388 : memref<1x4x128xi32, #tpu.memory_space<vmem>> -> memref<4x128xi32, #tpu.memory_space<vmem>>
      %dma_wait3A_390 = arith.constant 0 : i32
      %dma_wait3A_391 = tpu.memref_slice %arg4[%mul3A_75, %dma_wait3A_390] : memref<12544x128xi32, #tpu.memory_space<hbm>> -> memref<4x128xi32, #tpu.memory_space<hbm>>
      %dma_wait3A_392 = arith.constant 0 : i32
      %dma_wait3A_393 = arith.constant 0 : i32
      %dma_wait3A_394 = tpu.memref_slice %arg8[%dma_wait3A_385, %dma_wait3A_392, %dma_wait3A_393] : memref<2x4x128xi32, #tpu.memory_space<vmem>> -> memref<1x4x128xi32, #tpu.memory_space<vmem>>
      %dma_wait3A_395 = tpu.memref_squeeze %dma_wait3A_394 : memref<1x4x128xi32, #tpu.memory_space<vmem>> -> memref<4x128xi32, #tpu.memory_space<vmem>>
      %dma_wait3A_396 = arith.constant 0 : i32
      %dma_wait3A_397 = tpu.memref_slice %arg4[%mul3A_75, %dma_wait3A_396] : memref<12544x128xi32, #tpu.memory_space<hbm>> -> memref<4x128xi32, #tpu.memory_space<hbm>>
      tpu.wait_dma2 semaphore(%arg12 : memref<!tpu.dma_semaphore, #tpu.memory_space<semaphore_mem>>) src(%dma_wait3A_397 : memref<4x128xi32, #tpu.memory_space<hbm>>) dst(%dma_wait3A_395 : memref<4x128xi32, #tpu.memory_space<vmem>>)
      %dma_start3A_398 = arith.constant 1 : i32
      %dma_start3A_399 = arith.constant 0 : i32
      %dma_start3A_400 = arith.constant 1 : i32
      %dma_start3A_401 = arith.constant 0 : i32
      %dma_start3A_402 = arith.constant 0 : i32
      %dma_start3A_403 = tpu.memref_slice %arg9[%dma_start3A_400, %dma_start3A_401, %dma_start3A_402] : memref<2x512x32xbf16, #tpu.memory_space<vmem>> -> memref<1x128x32xbf16, #tpu.memory_space<vmem>>
      %dma_start3A_404 = tpu.memref_squeeze %dma_start3A_403 : memref<1x128x32xbf16, #tpu.memory_space<vmem>> -> memref<128x32xbf16, #tpu.memory_space<vmem>>
      %dma_start3A_405 = arith.constant 0 : i32
      %dma_start3A_406 = tpu.memref_slice %arg8[%dma_start3A_398, %dma_start3A_399, %dma_start3A_405] : memref<2x4x128xi32, #tpu.memory_space<vmem>> -> memref<1x1x128xi32, #tpu.memory_space<vmem>>
      %dma_start3A_407 = tpu.memref_squeeze %dma_start3A_406 : memref<1x1x128xi32, #tpu.memory_space<vmem>> -> memref<128xi32, #tpu.memory_space<vmem>>
      %dma_start3A_408 = arith.constant 0 : i32
      %dma_start3A_409 = arith.constant 0 : i32
      %dma_start3A_410 = tpu.memref_slice %arg2[%dma_start3A_408, %dma_start3A_409] : memref<100000x32xbf16, #tpu.memory_space<hbm>> -> memref<100000x32xbf16, #tpu.memory_space<hbm>>
      tpu.enqueue_indirect_dma source(%dma_start3A_410 : memref<100000x32xbf16, #tpu.memory_space<hbm>>) target(%dma_start3A_404 : memref<128x32xbf16, #tpu.memory_space<vmem>>) offsets(%dma_start3A_407 : memref<128xi32, #tpu.memory_space<vmem>>) semaphore(%arg13 : memref<!tpu.dma_semaphore, #tpu.memory_space<semaphore_mem>>)
      %dma_start3A_411 = arith.constant 1 : i32
      %dma_start3A_412 = arith.constant 1 : i32
      %dma_start3A_413 = arith.constant 1 : i32
      %dma_start3A_414 = arith.constant 128 : i32
      %dma_start3A_415 = arith.constant 0 : i32
      %dma_start3A_416 = tpu.memref_slice %arg9[%dma_start3A_413, %dma_start3A_414, %dma_start3A_415] : memref<2x512x32xbf16, #tpu.memory_space<vmem>> -> memref<1x128x32xbf16, #tpu.memory_space<vmem>>
      %dma_start3A_417 = tpu.memref_squeeze %dma_start3A_416 : memref<1x128x32xbf16, #tpu.memory_space<vmem>> -> memref<128x32xbf16, #tpu.memory_space<vmem>>
      %dma_start3A_418 = arith.constant 0 : i32
      %dma_start3A_419 = tpu.memref_slice %arg8[%dma_start3A_411, %dma_start3A_412, %dma_start3A_418] : memref<2x4x128xi32, #tpu.memory_space<vmem>> -> memref<1x1x128xi32, #tpu.memory_space<vmem>>
      %dma_start3A_420 = tpu.memref_squeeze %dma_start3A_419 : memref<1x1x128xi32, #tpu.memory_space<vmem>> -> memref<128xi32, #tpu.memory_space<vmem>>
      %dma_start3A_421 = arith.constant 0 : i32
      %dma_start3A_422 = arith.constant 0 : i32
      %dma_start3A_423 = tpu.memref_slice %arg2[%dma_start3A_421, %dma_start3A_422] : memref<100000x32xbf16, #tpu.memory_space<hbm>> -> memref<100000x32xbf16, #tpu.memory_space<hbm>>
      tpu.enqueue_indirect_dma source(%dma_start3A_423 : memref<100000x32xbf16, #tpu.memory_space<hbm>>) target(%dma_start3A_417 : memref<128x32xbf16, #tpu.memory_space<vmem>>) offsets(%dma_start3A_420 : memref<128xi32, #tpu.memory_space<vmem>>) semaphore(%arg13 : memref<!tpu.dma_semaphore, #tpu.memory_space<semaphore_mem>>)
      %dma_start3A_424 = arith.constant 1 : i32
      %dma_start3A_425 = arith.constant 2 : i32
      %dma_start3A_426 = arith.constant 1 : i32
      %dma_start3A_427 = arith.constant 256 : i32
      %dma_start3A_428 = arith.constant 0 : i32
      %dma_start3A_429 = tpu.memref_slice %arg9[%dma_start3A_426, %dma_start3A_427, %dma_start3A_428] : memref<2x512x32xbf16, #tpu.memory_space<vmem>> -> memref<1x128x32xbf16, #tpu.memory_space<vmem>>
      %dma_start3A_430 = tpu.memref_squeeze %dma_start3A_429 : memref<1x128x32xbf16, #tpu.memory_space<vmem>> -> memref<128x32xbf16, #tpu.memory_space<vmem>>
      %dma_start3A_431 = arith.constant 0 : i32
      %dma_start3A_432 = tpu.memref_slice %arg8[%dma_start3A_424, %dma_start3A_425, %dma_start3A_431] : memref<2x4x128xi32, #tpu.memory_space<vmem>> -> memref<1x1x128xi32, #tpu.memory_space<vmem>>
      %dma_start3A_433 = tpu.memref_squeeze %dma_start3A_432 : memref<1x1x128xi32, #tpu.memory_space<vmem>> -> memref<128xi32, #tpu.memory_space<vmem>>
      %dma_start3A_434 = arith.constant 0 : i32
      %dma_start3A_435 = arith.constant 0 : i32
      %dma_start3A_436 = tpu.memref_slice %arg2[%dma_start3A_434, %dma_start3A_435] : memref<100000x32xbf16, #tpu.memory_space<hbm>> -> memref<100000x32xbf16, #tpu.memory_space<hbm>>
      tpu.enqueue_indirect_dma source(%dma_start3A_436 : memref<100000x32xbf16, #tpu.memory_space<hbm>>) target(%dma_start3A_430 : memref<128x32xbf16, #tpu.memory_space<vmem>>) offsets(%dma_start3A_433 : memref<128xi32, #tpu.memory_space<vmem>>) semaphore(%arg13 : memref<!tpu.dma_semaphore, #tpu.memory_space<semaphore_mem>>)
      %dma_start3A_437 = arith.constant 1 : i32
      %dma_start3A_438 = arith.constant 3 : i32
      %dma_start3A_439 = arith.constant 1 : i32
      %dma_start3A_440 = arith.constant 384 : i32
      %dma_start3A_441 = arith.constant 0 : i32
      %dma_start3A_442 = tpu.memref_slice %arg9[%dma_start3A_439, %dma_start3A_440, %dma_start3A_441] : memref<2x512x32xbf16, #tpu.memory_space<vmem>> -> memref<1x128x32xbf16, #tpu.memory_space<vmem>>
      %dma_start3A_443 = tpu.memref_squeeze %dma_start3A_442 : memref<1x128x32xbf16, #tpu.memory_space<vmem>> -> memref<128x32xbf16, #tpu.memory_space<vmem>>
      %dma_start3A_444 = arith.constant 0 : i32
      %dma_start3A_445 = tpu.memref_slice %arg8[%dma_start3A_437, %dma_start3A_438, %dma_start3A_444] : memref<2x4x128xi32, #tpu.memory_space<vmem>> -> memref<1x1x128xi32, #tpu.memory_space<vmem>>
      %dma_start3A_446 = tpu.memref_squeeze %dma_start3A_445 : memref<1x1x128xi32, #tpu.memory_space<vmem>> -> memref<128xi32, #tpu.memory_space<vmem>>
      %dma_start3A_447 = arith.constant 0 : i32
      %dma_start3A_448 = arith.constant 0 : i32
      %dma_start3A_449 = tpu.memref_slice %arg2[%dma_start3A_447, %dma_start3A_448] : memref<100000x32xbf16, #tpu.memory_space<hbm>> -> memref<100000x32xbf16, #tpu.memory_space<hbm>>
      tpu.enqueue_indirect_dma source(%dma_start3A_449 : memref<100000x32xbf16, #tpu.memory_space<hbm>>) target(%dma_start3A_443 : memref<128x32xbf16, #tpu.memory_space<vmem>>) offsets(%dma_start3A_446 : memref<128xi32, #tpu.memory_space<vmem>>) semaphore(%arg13 : memref<!tpu.dma_semaphore, #tpu.memory_space<semaphore_mem>>)
      %dma_wait3A_450 = arith.constant 1 : i32
      %dma_wait3A_451 = arith.constant 0 : i32
      %dma_wait3A_452 = arith.constant 1 : i32
      %dma_wait3A_453 = arith.constant 0 : i32
      %dma_wait3A_454 = arith.constant 0 : i32
      %dma_wait3A_455 = tpu.memref_slice %arg9[%dma_wait3A_452, %dma_wait3A_453, %dma_wait3A_454] : memref<2x512x32xbf16, #tpu.memory_space<vmem>> -> memref<1x128x32xbf16, #tpu.memory_space<vmem>>
      %dma_wait3A_456 = tpu.memref_squeeze %dma_wait3A_455 : memref<1x128x32xbf16, #tpu.memory_space<vmem>> -> memref<128x32xbf16, #tpu.memory_space<vmem>>
      %dma_wait3A_457 = arith.constant 0 : i32
      %dma_wait3A_458 = tpu.memref_slice %arg8[%dma_wait3A_450, %dma_wait3A_451, %dma_wait3A_457] : memref<2x4x128xi32, #tpu.memory_space<vmem>> -> memref<1x1x128xi32, #tpu.memory_space<vmem>>
      %dma_wait3A_459 = tpu.memref_squeeze %dma_wait3A_458 : memref<1x1x128xi32, #tpu.memory_space<vmem>> -> memref<128xi32, #tpu.memory_space<vmem>>
      %dma_wait3A_460 = arith.constant 0 : i32
      %dma_wait3A_461 = arith.constant 0 : i32
      %dma_wait3A_462 = tpu.memref_slice %arg2[%dma_wait3A_460, %dma_wait3A_461] : memref<100000x32xbf16, #tpu.memory_space<hbm>> -> memref<100000x32xbf16, #tpu.memory_space<hbm>>
      tpu.wait_indirect_dma semaphore(%arg13 : memref<!tpu.dma_semaphore, #tpu.memory_space<semaphore_mem>>) src(%dma_wait3A_462 : memref<100000x32xbf16, #tpu.memory_space<hbm>>) dst(%dma_wait3A_456 : memref<128x32xbf16, #tpu.memory_space<vmem>>)
      %dma_wait3A_463 = arith.constant 1 : i32
      %dma_wait3A_464 = arith.constant 1 : i32
      %dma_wait3A_465 = arith.constant 1 : i32
      %dma_wait3A_466 = arith.constant 128 : i32
      %dma_wait3A_467 = arith.constant 0 : i32
      %dma_wait3A_468 = tpu.memref_slice %arg9[%dma_wait3A_465, %dma_wait3A_466, %dma_wait3A_467] : memref<2x512x32xbf16, #tpu.memory_space<vmem>> -> memref<1x128x32xbf16, #tpu.memory_space<vmem>>
      %dma_wait3A_469 = tpu.memref_squeeze %dma_wait3A_468 : memref<1x128x32xbf16, #tpu.memory_space<vmem>> -> memref<128x32xbf16, #tpu.memory_space<vmem>>
      %dma_wait3A_470 = arith.constant 0 : i32
      %dma_wait3A_471 = tpu.memref_slice %arg8[%dma_wait3A_463, %dma_wait3A_464, %dma_wait3A_470] : memref<2x4x128xi32, #tpu.memory_space<vmem>> -> memref<1x1x128xi32, #tpu.memory_space<vmem>>
      %dma_wait3A_472 = tpu.memref_squeeze %dma_wait3A_471 : memref<1x1x128xi32, #tpu.memory_space<vmem>> -> memref<128xi32, #tpu.memory_space<vmem>>
      %dma_wait3A_473 = arith.constant 0 : i32
      %dma_wait3A_474 = arith.constant 0 : i32
      %dma_wait3A_475 = tpu.memref_slice %arg2[%dma_wait3A_473, %dma_wait3A_474] : memref<100000x32xbf16, #tpu.memory_space<hbm>> -> memref<100000x32xbf16, #tpu.memory_space<hbm>>
      tpu.wait_indirect_dma semaphore(%arg13 : memref<!tpu.dma_semaphore, #tpu.memory_space<semaphore_mem>>) src(%dma_wait3A_475 : memref<100000x32xbf16, #tpu.memory_space<hbm>>) dst(%dma_wait3A_469 : memref<128x32xbf16, #tpu.memory_space<vmem>>)
      %dma_wait3A_476 = arith.constant 1 : i32
      %dma_wait3A_477 = arith.constant 2 : i32
      %dma_wait3A_478 = arith.constant 1 : i32
      %dma_wait3A_479 = arith.constant 256 : i32
      %dma_wait3A_480 = arith.constant 0 : i32
      %dma_wait3A_481 = tpu.memref_slice %arg9[%dma_wait3A_478, %dma_wait3A_479, %dma_wait3A_480] : memref<2x512x32xbf16, #tpu.memory_space<vmem>> -> memref<1x128x32xbf16, #tpu.memory_space<vmem>>
      %dma_wait3A_482 = tpu.memref_squeeze %dma_wait3A_481 : memref<1x128x32xbf16, #tpu.memory_space<vmem>> -> memref<128x32xbf16, #tpu.memory_space<vmem>>
      %dma_wait3A_483 = arith.constant 0 : i32
      %dma_wait3A_484 = tpu.memref_slice %arg8[%dma_wait3A_476, %dma_wait3A_477, %dma_wait3A_483] : memref<2x4x128xi32, #tpu.memory_space<vmem>> -> memref<1x1x128xi32, #tpu.memory_space<vmem>>
      %dma_wait3A_485 = tpu.memref_squeeze %dma_wait3A_484 : memref<1x1x128xi32, #tpu.memory_space<vmem>> -> memref<128xi32, #tpu.memory_space<vmem>>
      %dma_wait3A_486 = arith.constant 0 : i32
      %dma_wait3A_487 = arith.constant 0 : i32
      %dma_wait3A_488 = tpu.memref_slice %arg2[%dma_wait3A_486, %dma_wait3A_487] : memref<100000x32xbf16, #tpu.memory_space<hbm>> -> memref<100000x32xbf16, #tpu.memory_space<hbm>>
      tpu.wait_indirect_dma semaphore(%arg13 : memref<!tpu.dma_semaphore, #tpu.memory_space<semaphore_mem>>) src(%dma_wait3A_488 : memref<100000x32xbf16, #tpu.memory_space<hbm>>) dst(%dma_wait3A_482 : memref<128x32xbf16, #tpu.memory_space<vmem>>)
      %dma_wait3A_489 = arith.constant 1 : i32
      %dma_wait3A_490 = arith.constant 3 : i32
      %dma_wait3A_491 = arith.constant 1 : i32
      %dma_wait3A_492 = arith.constant 384 : i32
      %dma_wait3A_493 = arith.constant 0 : i32
      %dma_wait3A_494 = tpu.memref_slice %arg9[%dma_wait3A_491, %dma_wait3A_492, %dma_wait3A_493] : memref<2x512x32xbf16, #tpu.memory_space<vmem>> -> memref<1x128x32xbf16, #tpu.memory_space<vmem>>
      %dma_wait3A_495 = tpu.memref_squeeze %dma_wait3A_494 : memref<1x128x32xbf16, #tpu.memory_space<vmem>> -> memref<128x32xbf16, #tpu.memory_space<vmem>>
      %dma_wait3A_496 = arith.constant 0 : i32
      %dma_wait3A_497 = tpu.memref_slice %arg8[%dma_wait3A_489, %dma_wait3A_490, %dma_wait3A_496] : memref<2x4x128xi32, #tpu.memory_space<vmem>> -> memref<1x1x128xi32, #tpu.memory_space<vmem>>
      %dma_wait3A_498 = tpu.memref_squeeze %dma_wait3A_497 : memref<1x1x128xi32, #tpu.memory_space<vmem>> -> memref<128xi32, #tpu.memory_space<vmem>>
      %dma_wait3A_499 = arith.constant 0 : i32
      %dma_wait3A_500 = arith.constant 0 : i32
      %dma_wait3A_501 = tpu.memref_slice %arg2[%dma_wait3A_499, %dma_wait3A_500] : memref<100000x32xbf16, #tpu.memory_space<hbm>> -> memref<100000x32xbf16, #tpu.memory_space<hbm>>
      tpu.wait_indirect_dma semaphore(%arg13 : memref<!tpu.dma_semaphore, #tpu.memory_space<semaphore_mem>>) src(%dma_wait3A_501 : memref<100000x32xbf16, #tpu.memory_space<hbm>>) dst(%dma_wait3A_495 : memref<128x32xbf16, #tpu.memory_space<vmem>>)
      %ge3A_502 = arith.constant 1 : i32
      %ge3A_503 = arith.cmpi sge, %add3A_371, %ge3A_502 : i32
      %convert_element_type3A_504 = arith.extui %ge3A_503 : i1 to i32
      %cond3A_505 = arith.constant 0 : i32
      %cond3A_506 = arith.cmpi ne, %convert_element_type3A_504, %cond3A_505 : i32
      scf.if %cond3A_506 {
        %dma_wait3A_566 = arith.constant 0 : i32
        %dma_wait3A_567 = arith.constant 0 : i32
        %dma_wait3A_568 = arith.constant 0 : i32
        %dma_wait3A_569 = arith.constant 0 : i32
        %dma_wait3A_570 = arith.constant 0 : i32
        %dma_wait3A_571 = tpu.memref_slice %arg9[%dma_wait3A_566, %dma_wait3A_569, %dma_wait3A_570] : memref<2x512x32xbf16, #tpu.memory_space<vmem>> -> memref<1x128x32xbf16, #tpu.memory_space<vmem>>
        %dma_wait3A_572 = tpu.memref_squeeze %dma_wait3A_571 : memref<1x128x32xbf16, #tpu.memory_space<vmem>> -> memref<128x32xbf16, #tpu.memory_space<vmem>>
        %dma_wait3A_573 = arith.constant 0 : i32
        %dma_wait3A_574 = tpu.memref_slice %arg7[%dma_wait3A_567, %dma_wait3A_568, %dma_wait3A_573] : memref<2x4x128xi32, #tpu.memory_space<vmem>> -> memref<1x1x128xi32, #tpu.memory_space<vmem>>
        %dma_wait3A_575 = tpu.memref_squeeze %dma_wait3A_574 : memref<1x1x128xi32, #tpu.memory_space<vmem>> -> memref<128xi32, #tpu.memory_space<vmem>>
        %dma_wait3A_576 = arith.constant 0 : i32
        %dma_wait3A_577 = arith.constant 0 : i32
        %dma_wait3A_578 = tpu.memref_slice %arg10[%dma_wait3A_576, %dma_wait3A_577] : memref<100008x32xbf16, #tpu.memory_space<vmem_shared>> -> memref<100008x32xbf16, #tpu.memory_space<vmem_shared>>
        tpu.wait_indirect_dma semaphore(%arg14 : memref<!tpu.dma_semaphore, #tpu.memory_space<semaphore_mem>>) src(%dma_wait3A_572 : memref<128x32xbf16, #tpu.memory_space<vmem>>) dst(%dma_wait3A_578 : memref<100008x32xbf16, #tpu.memory_space<vmem_shared>>)
        %dma_wait3A_579 = arith.constant 0 : i32
        %dma_wait3A_580 = arith.constant 0 : i32
        %dma_wait3A_581 = arith.constant 1 : i32
        %dma_wait3A_582 = arith.constant 128 : i32
        %dma_wait3A_583 = arith.constant 0 : i32
        %dma_wait3A_584 = tpu.memref_slice %arg9[%dma_wait3A_579, %dma_wait3A_582, %dma_wait3A_583] : memref<2x512x32xbf16, #tpu.memory_space<vmem>> -> memref<1x128x32xbf16, #tpu.memory_space<vmem>>
        %dma_wait3A_585 = tpu.memref_squeeze %dma_wait3A_584 : memref<1x128x32xbf16, #tpu.memory_space<vmem>> -> memref<128x32xbf16, #tpu.memory_space<vmem>>
        %dma_wait3A_586 = arith.constant 0 : i32
        %dma_wait3A_587 = tpu.memref_slice %arg7[%dma_wait3A_580, %dma_wait3A_581, %dma_wait3A_586] : memref<2x4x128xi32, #tpu.memory_space<vmem>> -> memref<1x1x128xi32, #tpu.memory_space<vmem>>
        %dma_wait3A_588 = tpu.memref_squeeze %dma_wait3A_587 : memref<1x1x128xi32, #tpu.memory_space<vmem>> -> memref<128xi32, #tpu.memory_space<vmem>>
        %dma_wait3A_589 = arith.constant 0 : i32
        %dma_wait3A_590 = arith.constant 0 : i32
        %dma_wait3A_591 = tpu.memref_slice %arg10[%dma_wait3A_589, %dma_wait3A_590] : memref<100008x32xbf16, #tpu.memory_space<vmem_shared>> -> memref<100008x32xbf16, #tpu.memory_space<vmem_shared>>
        tpu.wait_indirect_dma semaphore(%arg14 : memref<!tpu.dma_semaphore, #tpu.memory_space<semaphore_mem>>) src(%dma_wait3A_585 : memref<128x32xbf16, #tpu.memory_space<vmem>>) dst(%dma_wait3A_591 : memref<100008x32xbf16, #tpu.memory_space<vmem_shared>>)
        %dma_wait3A_592 = arith.constant 0 : i32
        %dma_wait3A_593 = arith.constant 0 : i32
        %dma_wait3A_594 = arith.constant 2 : i32
        %dma_wait3A_595 = arith.constant 256 : i32
        %dma_wait3A_596 = arith.constant 0 : i32
        %dma_wait3A_597 = tpu.memref_slice %arg9[%dma_wait3A_592, %dma_wait3A_595, %dma_wait3A_596] : memref<2x512x32xbf16, #tpu.memory_space<vmem>> -> memref<1x128x32xbf16, #tpu.memory_space<vmem>>
        %dma_wait3A_598 = tpu.memref_squeeze %dma_wait3A_597 : memref<1x128x32xbf16, #tpu.memory_space<vmem>> -> memref<128x32xbf16, #tpu.memory_space<vmem>>
        %dma_wait3A_599 = arith.constant 0 : i32
        %dma_wait3A_600 = tpu.memref_slice %arg7[%dma_wait3A_593, %dma_wait3A_594, %dma_wait3A_599] : memref<2x4x128xi32, #tpu.memory_space<vmem>> -> memref<1x1x128xi32, #tpu.memory_space<vmem>>
        %dma_wait3A_601 = tpu.memref_squeeze %dma_wait3A_600 : memref<1x1x128xi32, #tpu.memory_space<vmem>> -> memref<128xi32, #tpu.memory_space<vmem>>
        %dma_wait3A_602 = arith.constant 0 : i32
        %dma_wait3A_603 = arith.constant 0 : i32
        %dma_wait3A_604 = tpu.memref_slice %arg10[%dma_wait3A_602, %dma_wait3A_603] : memref<100008x32xbf16, #tpu.memory_space<vmem_shared>> -> memref<100008x32xbf16, #tpu.memory_space<vmem_shared>>
        tpu.wait_indirect_dma semaphore(%arg14 : memref<!tpu.dma_semaphore, #tpu.memory_space<semaphore_mem>>) src(%dma_wait3A_598 : memref<128x32xbf16, #tpu.memory_space<vmem>>) dst(%dma_wait3A_604 : memref<100008x32xbf16, #tpu.memory_space<vmem_shared>>)
        %dma_wait3A_605 = arith.constant 0 : i32
        %dma_wait3A_606 = arith.constant 0 : i32
        %dma_wait3A_607 = arith.constant 3 : i32
        %dma_wait3A_608 = arith.constant 384 : i32
        %dma_wait3A_609 = arith.constant 0 : i32
        %dma_wait3A_610 = tpu.memref_slice %arg9[%dma_wait3A_605, %dma_wait3A_608, %dma_wait3A_609] : memref<2x512x32xbf16, #tpu.memory_space<vmem>> -> memref<1x128x32xbf16, #tpu.memory_space<vmem>>
        %dma_wait3A_611 = tpu.memref_squeeze %dma_wait3A_610 : memref<1x128x32xbf16, #tpu.memory_space<vmem>> -> memref<128x32xbf16, #tpu.memory_space<vmem>>
        %dma_wait3A_612 = arith.constant 0 : i32
        %dma_wait3A_613 = tpu.memref_slice %arg7[%dma_wait3A_606, %dma_wait3A_607, %dma_wait3A_612] : memref<2x4x128xi32, #tpu.memory_space<vmem>> -> memref<1x1x128xi32, #tpu.memory_space<vmem>>
        %dma_wait3A_614 = tpu.memref_squeeze %dma_wait3A_613 : memref<1x1x128xi32, #tpu.memory_space<vmem>> -> memref<128xi32, #tpu.memory_space<vmem>>
        %dma_wait3A_615 = arith.constant 0 : i32
        %dma_wait3A_616 = arith.constant 0 : i32
        %dma_wait3A_617 = tpu.memref_slice %arg10[%dma_wait3A_615, %dma_wait3A_616] : memref<100008x32xbf16, #tpu.memory_space<vmem_shared>> -> memref<100008x32xbf16, #tpu.memory_space<vmem_shared>>
        tpu.wait_indirect_dma semaphore(%arg14 : memref<!tpu.dma_semaphore, #tpu.memory_space<semaphore_mem>>) src(%dma_wait3A_611 : memref<128x32xbf16, #tpu.memory_space<vmem>>) dst(%dma_wait3A_617 : memref<100008x32xbf16, #tpu.memory_space<vmem_shared>>)
      } else {
      }
      %dma_start3A_507 = arith.constant 1 : i32
      %dma_start3A_508 = arith.constant 1 : i32
      %dma_start3A_509 = arith.constant 0 : i32
      %dma_start3A_510 = arith.constant 0 : i32
      %dma_start3A_511 = arith.constant 0 : i32
      %dma_start3A_512 = tpu.memref_slice %arg9[%dma_start3A_507, %dma_start3A_510, %dma_start3A_511] : memref<2x512x32xbf16, #tpu.memory_space<vmem>> -> memref<1x128x32xbf16, #tpu.memory_space<vmem>>
      %dma_start3A_513 = tpu.memref_squeeze %dma_start3A_512 : memref<1x128x32xbf16, #tpu.memory_space<vmem>> -> memref<128x32xbf16, #tpu.memory_space<vmem>>
      %dma_start3A_514 = arith.constant 0 : i32
      %dma_start3A_515 = tpu.memref_slice %arg7[%dma_start3A_508, %dma_start3A_509, %dma_start3A_514] : memref<2x4x128xi32, #tpu.memory_space<vmem>> -> memref<1x1x128xi32, #tpu.memory_space<vmem>>
      %dma_start3A_516 = tpu.memref_squeeze %dma_start3A_515 : memref<1x1x128xi32, #tpu.memory_space<vmem>> -> memref<128xi32, #tpu.memory_space<vmem>>
      %dma_start3A_517 = arith.constant 0 : i32
      %dma_start3A_518 = arith.constant 0 : i32
      %dma_start3A_519 = tpu.memref_slice %arg10[%dma_start3A_517, %dma_start3A_518] : memref<100008x32xbf16, #tpu.memory_space<vmem_shared>> -> memref<100008x32xbf16, #tpu.memory_space<vmem_shared>>
      tpu.enqueue_indirect_dma source(%dma_start3A_513 : memref<128x32xbf16, #tpu.memory_space<vmem>>) target(%dma_start3A_519 : memref<100008x32xbf16, #tpu.memory_space<vmem_shared>>) offsets(%dma_start3A_516 : memref<128xi32, #tpu.memory_space<vmem>>) semaphore(%arg15 : memref<!tpu.dma_semaphore, #tpu.memory_space<semaphore_mem>>) {add = true}
      %dma_start3A_520 = arith.constant 1 : i32
      %dma_start3A_521 = arith.constant 1 : i32
      %dma_start3A_522 = arith.constant 1 : i32
      %dma_start3A_523 = arith.constant 128 : i32
      %dma_start3A_524 = arith.constant 0 : i32
      %dma_start3A_525 = tpu.memref_slice %arg9[%dma_start3A_520, %dma_start3A_523, %dma_start3A_524] : memref<2x512x32xbf16, #tpu.memory_space<vmem>> -> memref<1x128x32xbf16, #tpu.memory_space<vmem>>
      %dma_start3A_526 = tpu.memref_squeeze %dma_start3A_525 : memref<1x128x32xbf16, #tpu.memory_space<vmem>> -> memref<128x32xbf16, #tpu.memory_space<vmem>>
      %dma_start3A_527 = arith.constant 0 : i32
      %dma_start3A_528 = tpu.memref_slice %arg7[%dma_start3A_521, %dma_start3A_522, %dma_start3A_527] : memref<2x4x128xi32, #tpu.memory_space<vmem>> -> memref<1x1x128xi32, #tpu.memory_space<vmem>>
      %dma_start3A_529 = tpu.memref_squeeze %dma_start3A_528 : memref<1x1x128xi32, #tpu.memory_space<vmem>> -> memref<128xi32, #tpu.memory_space<vmem>>
      %dma_start3A_530 = arith.constant 0 : i32
      %dma_start3A_531 = arith.constant 0 : i32
      %dma_start3A_532 = tpu.memref_slice %arg10[%dma_start3A_530, %dma_start3A_531] : memref<100008x32xbf16, #tpu.memory_space<vmem_shared>> -> memref<100008x32xbf16, #tpu.memory_space<vmem_shared>>
      tpu.enqueue_indirect_dma source(%dma_start3A_526 : memref<128x32xbf16, #tpu.memory_space<vmem>>) target(%dma_start3A_532 : memref<100008x32xbf16, #tpu.memory_space<vmem_shared>>) offsets(%dma_start3A_529 : memref<128xi32, #tpu.memory_space<vmem>>) semaphore(%arg15 : memref<!tpu.dma_semaphore, #tpu.memory_space<semaphore_mem>>) {add = true}
      %dma_start3A_533 = arith.constant 1 : i32
      %dma_start3A_534 = arith.constant 1 : i32
      %dma_start3A_535 = arith.constant 2 : i32
      %dma_start3A_536 = arith.constant 256 : i32
      %dma_start3A_537 = arith.constant 0 : i32
      %dma_start3A_538 = tpu.memref_slice %arg9[%dma_start3A_533, %dma_start3A_536, %dma_start3A_537] : memref<2x512x32xbf16, #tpu.memory_space<vmem>> -> memref<1x128x32xbf16, #tpu.memory_space<vmem>>
      %dma_start3A_539 = tpu.memref_squeeze %dma_start3A_538 : memref<1x128x32xbf16, #tpu.memory_space<vmem>> -> memref<128x32xbf16, #tpu.memory_space<vmem>>
      %dma_start3A_540 = arith.constant 0 : i32
      %dma_start3A_541 = tpu.memref_slice %arg7[%dma_start3A_534, %dma_start3A_535, %dma_start3A_540] : memref<2x4x128xi32, #tpu.memory_space<vmem>> -> memref<1x1x128xi32, #tpu.memory_space<vmem>>
      %dma_start3A_542 = tpu.memref_squeeze %dma_start3A_541 : memref<1x1x128xi32, #tpu.memory_space<vmem>> -> memref<128xi32, #tpu.memory_space<vmem>>
      %dma_start3A_543 = arith.constant 0 : i32
      %dma_start3A_544 = arith.constant 0 : i32
      %dma_start3A_545 = tpu.memref_slice %arg10[%dma_start3A_543, %dma_start3A_544] : memref<100008x32xbf16, #tpu.memory_space<vmem_shared>> -> memref<100008x32xbf16, #tpu.memory_space<vmem_shared>>
      tpu.enqueue_indirect_dma source(%dma_start3A_539 : memref<128x32xbf16, #tpu.memory_space<vmem>>) target(%dma_start3A_545 : memref<100008x32xbf16, #tpu.memory_space<vmem_shared>>) offsets(%dma_start3A_542 : memref<128xi32, #tpu.memory_space<vmem>>) semaphore(%arg15 : memref<!tpu.dma_semaphore, #tpu.memory_space<semaphore_mem>>) {add = true}
      %dma_start3A_546 = arith.constant 1 : i32
      %dma_start3A_547 = arith.constant 1 : i32
      %dma_start3A_548 = arith.constant 3 : i32
      %dma_start3A_549 = arith.constant 384 : i32
      %dma_start3A_550 = arith.constant 0 : i32
      %dma_start3A_551 = tpu.memref_slice %arg9[%dma_start3A_546, %dma_start3A_549, %dma_start3A_550] : memref<2x512x32xbf16, #tpu.memory_space<vmem>> -> memref<1x128x32xbf16, #tpu.memory_space<vmem>>
      %dma_start3A_552 = tpu.memref_squeeze %dma_start3A_551 : memref<1x128x32xbf16, #tpu.memory_space<vmem>> -> memref<128x32xbf16, #tpu.memory_space<vmem>>
      %dma_start3A_553 = arith.constant 0 : i32
      %dma_start3A_554 = tpu.memref_slice %arg7[%dma_start3A_547, %dma_start3A_548, %dma_start3A_553] : memref<2x4x128xi32, #tpu.memory_space<vmem>> -> memref<1x1x128xi32, #tpu.memory_space<vmem>>
      %dma_start3A_555 = tpu.memref_squeeze %dma_start3A_554 : memref<1x1x128xi32, #tpu.memory_space<vmem>> -> memref<128xi32, #tpu.memory_space<vmem>>
      %dma_start3A_556 = arith.constant 0 : i32
      %dma_start3A_557 = arith.constant 0 : i32
      %dma_start3A_558 = tpu.memref_slice %arg10[%dma_start3A_556, %dma_start3A_557] : memref<100008x32xbf16, #tpu.memory_space<vmem_shared>> -> memref<100008x32xbf16, #tpu.memory_space<vmem_shared>>
      tpu.enqueue_indirect_dma source(%dma_start3A_552 : memref<128x32xbf16, #tpu.memory_space<vmem>>) target(%dma_start3A_558 : memref<100008x32xbf16, #tpu.memory_space<vmem_shared>>) offsets(%dma_start3A_555 : memref<128xi32, #tpu.memory_space<vmem>>) semaphore(%arg15 : memref<!tpu.dma_semaphore, #tpu.memory_space<semaphore_mem>>) {add = true}
      %add3A_559 = arith.constant 1 : i32
      %add3A_560 = arith.addi %add3A_371, %add3A_559 : i32
      %lt3A_561 = arith.constant 98 : i32
      %lt3A_562 = arith.cmpi slt, %add3A_560, %lt3A_561 : i32
      %convert_element_type3A_563 = arith.extui %lt3A_562 : i1 to i32
      %cond3A_564 = arith.constant 0 : i32
      %cond3A_565 = arith.cmpi ne, %convert_element_type3A_563, %cond3A_564 : i32
      scf.if %cond3A_565 {
        %add3A_566 = arith.constant 1 : i32
        %add3A_567 = arith.addi %add3A_371, %add3A_566 : i32
        %mul3A_568 = arith.constant 4 : i32
        %mul3A_569 = arith.muli %add3A_567, %mul3A_568 : i32
        %add3A_570 = arith.addi %mul3A_75, %mul3A_569 : i32
        %dma_start3A_571 = arith.constant 0 : i32
        %dma_start3A_572 = arith.constant 0 : i32
        %dma_start3A_573 = arith.constant 0 : i32
        %dma_start3A_574 = tpu.memref_slice %arg7[%dma_start3A_571, %dma_start3A_572, %dma_start3A_573] : memref<2x4x128xi32, #tpu.memory_space<vmem>> -> memref<1x4x128xi32, #tpu.memory_space<vmem>>
        %dma_start3A_575 = tpu.memref_squeeze %dma_start3A_574 : memref<1x4x128xi32, #tpu.memory_space<vmem>> -> memref<4x128xi32, #tpu.memory_space<vmem>>
        %dma_start3A_576 = arith.constant 0 : i32
        %dma_start3A_577 = tpu.memref_slice %arg3[%add3A_570, %dma_start3A_576] : memref<12544x128xi32, #tpu.memory_space<hbm>> -> memref<4x128xi32, #tpu.memory_space<hbm>>
        %dma_start3A_578 = arith.constant 0 : i32
        %dma_start3A_579 = arith.constant 0 : i32
        %dma_start3A_580 = tpu.memref_slice %arg7[%dma_start3A_571, %dma_start3A_578, %dma_start3A_579] : memref<2x4x128xi32, #tpu.memory_space<vmem>> -> memref<1x4x128xi32, #tpu.memory_space<vmem>>
        %dma_start3A_581 = tpu.memref_squeeze %dma_start3A_580 : memref<1x4x128xi32, #tpu.memory_space<vmem>> -> memref<4x128xi32, #tpu.memory_space<vmem>>
        %dma_start3A_582 = arith.constant 0 : i32
        %dma_start3A_583 = tpu.memref_slice %arg3[%add3A_570, %dma_start3A_582] : memref<12544x128xi32, #tpu.memory_space<hbm>> -> memref<4x128xi32, #tpu.memory_space<hbm>>
        tpu.enqueue_dma source(%dma_start3A_583 : memref<4x128xi32, #tpu.memory_space<hbm>>) target(%dma_start3A_581 : memref<4x128xi32, #tpu.memory_space<vmem>>) target_semaphore(%arg11 : memref<!tpu.dma_semaphore, #tpu.memory_space<semaphore_mem>>)
        %dma_start3A_584 = arith.constant 0 : i32
        %dma_start3A_585 = arith.constant 0 : i32
        %dma_start3A_586 = arith.constant 0 : i32
        %dma_start3A_587 = tpu.memref_slice %arg8[%dma_start3A_584, %dma_start3A_585, %dma_start3A_586] : memref<2x4x128xi32, #tpu.memory_space<vmem>> -> memref<1x4x128xi32, #tpu.memory_space<vmem>>
        %dma_start3A_588 = tpu.memref_squeeze %dma_start3A_587 : memref<1x4x128xi32, #tpu.memory_space<vmem>> -> memref<4x128xi32, #tpu.memory_space<vmem>>
        %dma_start3A_589 = arith.constant 0 : i32
        %dma_start3A_590 = tpu.memref_slice %arg4[%add3A_570, %dma_start3A_589] : memref<12544x128xi32, #tpu.memory_space<hbm>> -> memref<4x128xi32, #tpu.memory_space<hbm>>
        %dma_start3A_591 = arith.constant 0 : i32
        %dma_start3A_592 = arith.constant 0 : i32
        %dma_start3A_593 = tpu.memref_slice %arg8[%dma_start3A_584, %dma_start3A_591, %dma_start3A_592] : memref<2x4x128xi32, #tpu.memory_space<vmem>> -> memref<1x4x128xi32, #tpu.memory_space<vmem>>
        %dma_start3A_594 = tpu.memref_squeeze %dma_start3A_593 : memref<1x4x128xi32, #tpu.memory_space<vmem>> -> memref<4x128xi32, #tpu.memory_space<vmem>>
        %dma_start3A_595 = arith.constant 0 : i32
        %dma_start3A_596 = tpu.memref_slice %arg4[%add3A_570, %dma_start3A_595] : memref<12544x128xi32, #tpu.memory_space<hbm>> -> memref<4x128xi32, #tpu.memory_space<hbm>>
        tpu.enqueue_dma source(%dma_start3A_596 : memref<4x128xi32, #tpu.memory_space<hbm>>) target(%dma_start3A_594 : memref<4x128xi32, #tpu.memory_space<vmem>>) target_semaphore(%arg11 : memref<!tpu.dma_semaphore, #tpu.memory_space<semaphore_mem>>)
      } else {
      }
    }
    %scan3A_108 = arith.constant 49 : i32
    %dma_wait3A = arith.constant 1 : i32
    %dma_wait3A_109 = arith.constant 1 : i32
    %dma_wait3A_110 = arith.constant 0 : i32
    %dma_wait3A_111 = arith.constant 0 : i32
    %dma_wait3A_112 = arith.constant 0 : i32
    %dma_wait3A_113 = tpu.memref_slice %arg9[%dma_wait3A, %dma_wait3A_111, %dma_wait3A_112] : memref<2x512x32xbf16, #tpu.memory_space<vmem>> -> memref<1x128x32xbf16, #tpu.memory_space<vmem>>
    %dma_wait3A_114 = tpu.memref_squeeze %dma_wait3A_113 : memref<1x128x32xbf16, #tpu.memory_space<vmem>> -> memref<128x32xbf16, #tpu.memory_space<vmem>>
    %dma_wait3A_115 = arith.constant 0 : i32
    %dma_wait3A_116 = tpu.memref_slice %arg7[%dma_wait3A_109, %dma_wait3A_110, %dma_wait3A_115] : memref<2x4x128xi32, #tpu.memory_space<vmem>> -> memref<1x1x128xi32, #tpu.memory_space<vmem>>
    %dma_wait3A_117 = tpu.memref_squeeze %dma_wait3A_116 : memref<1x1x128xi32, #tpu.memory_space<vmem>> -> memref<128xi32, #tpu.memory_space<vmem>>
    %dma_wait3A_118 = arith.constant 0 : i32
    %dma_wait3A_119 = arith.constant 0 : i32
    %dma_wait3A_120 = tpu.memref_slice %arg10[%dma_wait3A_118, %dma_wait3A_119] : memref<100008x32xbf16, #tpu.memory_space<vmem_shared>> -> memref<100008x32xbf16, #tpu.memory_space<vmem_shared>>
    tpu.wait_indirect_dma semaphore(%arg15 : memref<!tpu.dma_semaphore, #tpu.memory_space<semaphore_mem>>) src(%dma_wait3A_114 : memref<128x32xbf16, #tpu.memory_space<vmem>>) dst(%dma_wait3A_120 : memref<100008x32xbf16, #tpu.memory_space<vmem_shared>>)
    %dma_wait3A_121 = arith.constant 1 : i32
    %dma_wait3A_122 = arith.constant 1 : i32
    %dma_wait3A_123 = arith.constant 1 : i32
    %dma_wait3A_124 = arith.constant 128 : i32
    %dma_wait3A_125 = arith.constant 0 : i32
    %dma_wait3A_126 = tpu.memref_slice %arg9[%dma_wait3A_121, %dma_wait3A_124, %dma_wait3A_125] : memref<2x512x32xbf16, #tpu.memory_space<vmem>> -> memref<1x128x32xbf16, #tpu.memory_space<vmem>>
    %dma_wait3A_127 = tpu.memref_squeeze %dma_wait3A_126 : memref<1x128x32xbf16, #tpu.memory_space<vmem>> -> memref<128x32xbf16, #tpu.memory_space<vmem>>
    %dma_wait3A_128 = arith.constant 0 : i32
    %dma_wait3A_129 = tpu.memref_slice %arg7[%dma_wait3A_122, %dma_wait3A_123, %dma_wait3A_128] : memref<2x4x128xi32, #tpu.memory_space<vmem>> -> memref<1x1x128xi32, #tpu.memory_space<vmem>>
    %dma_wait3A_130 = tpu.memref_squeeze %dma_wait3A_129 : memref<1x1x128xi32, #tpu.memory_space<vmem>> -> memref<128xi32, #tpu.memory_space<vmem>>
    %dma_wait3A_131 = arith.constant 0 : i32
    %dma_wait3A_132 = arith.constant 0 : i32
    %dma_wait3A_133 = tpu.memref_slice %arg10[%dma_wait3A_131, %dma_wait3A_132] : memref<100008x32xbf16, #tpu.memory_space<vmem_shared>> -> memref<100008x32xbf16, #tpu.memory_space<vmem_shared>>
    tpu.wait_indirect_dma semaphore(%arg15 : memref<!tpu.dma_semaphore, #tpu.memory_space<semaphore_mem>>) src(%dma_wait3A_127 : memref<128x32xbf16, #tpu.memory_space<vmem>>) dst(%dma_wait3A_133 : memref<100008x32xbf16, #tpu.memory_space<vmem_shared>>)
    %dma_wait3A_134 = arith.constant 1 : i32
    %dma_wait3A_135 = arith.constant 1 : i32
    %dma_wait3A_136 = arith.constant 2 : i32
    %dma_wait3A_137 = arith.constant 256 : i32
    %dma_wait3A_138 = arith.constant 0 : i32
    %dma_wait3A_139 = tpu.memref_slice %arg9[%dma_wait3A_134, %dma_wait3A_137, %dma_wait3A_138] : memref<2x512x32xbf16, #tpu.memory_space<vmem>> -> memref<1x128x32xbf16, #tpu.memory_space<vmem>>
    %dma_wait3A_140 = tpu.memref_squeeze %dma_wait3A_139 : memref<1x128x32xbf16, #tpu.memory_space<vmem>> -> memref<128x32xbf16, #tpu.memory_space<vmem>>
    %dma_wait3A_141 = arith.constant 0 : i32
    %dma_wait3A_142 = tpu.memref_slice %arg7[%dma_wait3A_135, %dma_wait3A_136, %dma_wait3A_141] : memref<2x4x128xi32, #tpu.memory_space<vmem>> -> memref<1x1x128xi32, #tpu.memory_space<vmem>>
    %dma_wait3A_143 = tpu.memref_squeeze %dma_wait3A_142 : memref<1x1x128xi32, #tpu.memory_space<vmem>> -> memref<128xi32, #tpu.memory_space<vmem>>
    %dma_wait3A_144 = arith.constant 0 : i32
    %dma_wait3A_145 = arith.constant 0 : i32
    %dma_wait3A_146 = tpu.memref_slice %arg10[%dma_wait3A_144, %dma_wait3A_145] : memref<100008x32xbf16, #tpu.memory_space<vmem_shared>> -> memref<100008x32xbf16, #tpu.memory_space<vmem_shared>>
    tpu.wait_indirect_dma semaphore(%arg15 : memref<!tpu.dma_semaphore, #tpu.memory_space<semaphore_mem>>) src(%dma_wait3A_140 : memref<128x32xbf16, #tpu.memory_space<vmem>>) dst(%dma_wait3A_146 : memref<100008x32xbf16, #tpu.memory_space<vmem_shared>>)
    %dma_wait3A_147 = arith.constant 1 : i32
    %dma_wait3A_148 = arith.constant 1 : i32
    %dma_wait3A_149 = arith.constant 3 : i32
    %dma_wait3A_150 = arith.constant 384 : i32
    %dma_wait3A_151 = arith.constant 0 : i32
    %dma_wait3A_152 = tpu.memref_slice %arg9[%dma_wait3A_147, %dma_wait3A_150, %dma_wait3A_151] : memref<2x512x32xbf16, #tpu.memory_space<vmem>> -> memref<1x128x32xbf16, #tpu.memory_space<vmem>>
    %dma_wait3A_153 = tpu.memref_squeeze %dma_wait3A_152 : memref<1x128x32xbf16, #tpu.memory_space<vmem>> -> memref<128x32xbf16, #tpu.memory_space<vmem>>
    %dma_wait3A_154 = arith.constant 0 : i32
    %dma_wait3A_155 = tpu.memref_slice %arg7[%dma_wait3A_148, %dma_wait3A_149, %dma_wait3A_154] : memref<2x4x128xi32, #tpu.memory_space<vmem>> -> memref<1x1x128xi32, #tpu.memory_space<vmem>>
    %dma_wait3A_156 = tpu.memref_squeeze %dma_wait3A_155 : memref<1x1x128xi32, #tpu.memory_space<vmem>> -> memref<128xi32, #tpu.memory_space<vmem>>
    %dma_wait3A_157 = arith.constant 0 : i32
    %dma_wait3A_158 = arith.constant 0 : i32
    %dma_wait3A_159 = tpu.memref_slice %arg10[%dma_wait3A_157, %dma_wait3A_158] : memref<100008x32xbf16, #tpu.memory_space<vmem_shared>> -> memref<100008x32xbf16, #tpu.memory_space<vmem_shared>>
    tpu.wait_indirect_dma semaphore(%arg15 : memref<!tpu.dma_semaphore, #tpu.memory_space<semaphore_mem>>) src(%dma_wait3A_153 : memref<128x32xbf16, #tpu.memory_space<vmem>>) dst(%dma_wait3A_159 : memref<100008x32xbf16, #tpu.memory_space<vmem_shared>>)
    %barrier3A_160 = arith.constant 0 : index
    tpu.barrier barrier_id(%barrier3A_160)
    %eq3A_161 = arith.constant 0 : i32
    %eq3A_162 = arith.cmpi eq, %arg0, %eq3A_161 : i32
    %convert_element_type3A_163 = arith.extui %eq3A_162 : i1 to i32
    %cond3A_164 = arith.constant 0 : i32
    %cond3A_165 = arith.cmpi ne, %convert_element_type3A_163, %cond3A_164 : i32
    scf.if %cond3A_165 {
      %mul3A_171 = arith.constant 6250 : i32
      %mul3A_172 = arith.muli %arg1, %mul3A_171 : i32
      %mul3A_173 = arith.constant 6250 : i32
      %mul3A_174 = arith.muli %arg1, %mul3A_173 : i32
      "tpu.region"() ({
        %run_scoped3A_175 = tpu.sem_alloc : memref<!tpu.dma_semaphore, #tpu.memory_space<semaphore_mem>>
        %dma_start3A_176 = arith.constant 0 : i32
        %dma_start3A_177 = tpu.memref_slice %arg5[%mul3A_174, %dma_start3A_176] : memref<100000x32xbf16, #tpu.memory_space<hbm>> -> memref<6250x32xbf16, #tpu.memory_space<hbm>>
        %dma_start3A_178 = arith.constant 0 : i32
        %dma_start3A_179 = tpu.memref_slice %arg10[%mul3A_172, %dma_start3A_178] : memref<100008x32xbf16, #tpu.memory_space<vmem_shared>> -> memref<6250x32xbf16, #tpu.memory_space<vmem_shared>>
        tpu.enqueue_dma source(%dma_start3A_179 : memref<6250x32xbf16, #tpu.memory_space<vmem_shared>>) target(%dma_start3A_177 : memref<6250x32xbf16, #tpu.memory_space<hbm>>) target_semaphore(%run_scoped3A_175 : memref<!tpu.dma_semaphore, #tpu.memory_space<semaphore_mem>>)
        %dma_wait3A_180 = arith.constant 0 : i32
        %dma_wait3A_181 = tpu.memref_slice %arg5[%mul3A_174, %dma_wait3A_180] : memref<100000x32xbf16, #tpu.memory_space<hbm>> -> memref<6250x32xbf16, #tpu.memory_space<hbm>>
        %dma_wait3A_182 = arith.constant 0 : i32
        %dma_wait3A_183 = tpu.memref_slice %arg10[%mul3A_172, %dma_wait3A_182] : memref<100008x32xbf16, #tpu.memory_space<vmem_shared>> -> memref<6250x32xbf16, #tpu.memory_space<vmem_shared>>
        tpu.wait_dma2 semaphore(%run_scoped3A_175 : memref<!tpu.dma_semaphore, #tpu.memory_space<semaphore_mem>>) src(%dma_wait3A_183 : memref<6250x32xbf16, #tpu.memory_space<vmem_shared>>) dst(%dma_wait3A_181 : memref<6250x32xbf16, #tpu.memory_space<hbm>>)
        tpu.yield
      }) : () -> ()
    } else {
    }
    %eq3A_166 = arith.constant 1 : i32
    %eq3A_167 = arith.cmpi eq, %arg0, %eq3A_166 : i32
    %convert_element_type3A_168 = arith.extui %eq3A_167 : i1 to i32
    %cond3A_169 = arith.constant 0 : i32
    %cond3A_170 = arith.cmpi ne, %convert_element_type3A_168, %cond3A_169 : i32
    scf.if %cond3A_170 {
      %mul3A_171 = arith.constant 6250 : i32
      %mul3A_172 = arith.muli %arg1, %mul3A_171 : i32
      %mul3A_173 = arith.constant 6250 : i32
      %mul3A_174 = arith.muli %arg1, %mul3A_173 : i32
      "tpu.region"() ({
        %run_scoped3A_175 = tpu.sem_alloc : memref<!tpu.dma_semaphore, #tpu.memory_space<semaphore_mem>>
        %dma_start3A_176 = arith.constant 0 : i32
        %dma_start3A_177 = tpu.memref_slice %arg6[%mul3A_174, %dma_start3A_176] : memref<100000x32xbf16, #tpu.memory_space<hbm>> -> memref<6250x32xbf16, #tpu.memory_space<hbm>>
        %dma_start3A_178 = arith.constant 0 : i32
        %dma_start3A_179 = tpu.memref_slice %arg10[%mul3A_172, %dma_start3A_178] : memref<100008x32xbf16, #tpu.memory_space<vmem_shared>> -> memref<6250x32xbf16, #tpu.memory_space<vmem_shared>>
        tpu.enqueue_dma source(%dma_start3A_179 : memref<6250x32xbf16, #tpu.memory_space<vmem_shared>>) target(%dma_start3A_177 : memref<6250x32xbf16, #tpu.memory_space<hbm>>) target_semaphore(%run_scoped3A_175 : memref<!tpu.dma_semaphore, #tpu.memory_space<semaphore_mem>>)
        %dma_wait3A_180 = arith.constant 0 : i32
        %dma_wait3A_181 = tpu.memref_slice %arg6[%mul3A_174, %dma_wait3A_180] : memref<100000x32xbf16, #tpu.memory_space<hbm>> -> memref<6250x32xbf16, #tpu.memory_space<hbm>>
        %dma_wait3A_182 = arith.constant 0 : i32
        %dma_wait3A_183 = tpu.memref_slice %arg10[%mul3A_172, %dma_wait3A_182] : memref<100008x32xbf16, #tpu.memory_space<vmem_shared>> -> memref<6250x32xbf16, #tpu.memory_space<vmem_shared>>
        tpu.wait_dma2 semaphore(%run_scoped3A_175 : memref<!tpu.dma_semaphore, #tpu.memory_space<semaphore_mem>>) src(%dma_wait3A_183 : memref<6250x32xbf16, #tpu.memory_space<vmem_shared>>) dst(%dma_wait3A_181 : memref<6250x32xbf16, #tpu.memory_space<hbm>>)
        tpu.yield
      }) : () -> ()
    } else {
    }
    return
  }
}

module attributes {stable_mosaic.version = 14 : i64} {
  func.func @_mlp_body(%arg0: i32, %arg1: memref<2000x128xf32, #tpu.memory_space<vmem>>, %arg2: memref<128x32xf32, #tpu.memory_space<vmem>>, %arg3: memref<1x32xf32, #tpu.memory_space<vmem>>, %arg4: memref<1x32xf32, #tpu.memory_space<vmem>>, %arg5: memref<1x32xf32, #tpu.memory_space<vmem>>, %arg6: memref<32x32xf32, #tpu.memory_space<vmem>>, %arg7: memref<1x32xf32, #tpu.memory_space<vmem>>, %arg8: memref<1x32xf32, #tpu.memory_space<vmem>>, %arg9: memref<1x32xf32, #tpu.memory_space<vmem>>, %arg10: memref<2000x32xf32, #tpu.memory_space<vmem>>, %arg11: memref<2000x32xbf16, #tpu.memory_space<vmem>>) attributes {dimension_semantics = [#tpu.dimension_semantics<arbitrary>], iteration_bounds = array<i64: 50>, scalar_prefetch = 0 : i64, scratch_operands = 0 : i64, tpu.core_type = #tpu.core_type<tc>, window_params = [{transform_indices = @transform_0, window_bounds = array<i64: 2000, 128>}, {pipeline_mode = #tpu.pipeline_mode<synchronous>, transform_indices = @transform_1, window_bounds = array<i64: 128, 32>}, {pipeline_mode = #tpu.pipeline_mode<synchronous>, transform_indices = @transform_2, window_bounds = array<i64: 1, 32>}, {pipeline_mode = #tpu.pipeline_mode<synchronous>, transform_indices = @transform_3, window_bounds = array<i64: 1, 32>}, {pipeline_mode = #tpu.pipeline_mode<synchronous>, transform_indices = @transform_4, window_bounds = array<i64: 1, 32>}, {pipeline_mode = #tpu.pipeline_mode<synchronous>, transform_indices = @transform_5, window_bounds = array<i64: 32, 32>}, {pipeline_mode = #tpu.pipeline_mode<synchronous>, transform_indices = @transform_6, window_bounds = array<i64: 1, 32>}, {pipeline_mode = #tpu.pipeline_mode<synchronous>, transform_indices = @transform_7, window_bounds = array<i64: 1, 32>}, {pipeline_mode = #tpu.pipeline_mode<synchronous>, transform_indices = @transform_8, window_bounds = array<i64: 1, 32>}, {transform_indices = @transform_9, window_bounds = array<i64: 2000, 32>}, {transform_indices = @transform_10, window_bounds = array<i64: 2000, 32>}]} {
    %get3A = arith.constant 0 : index
    %get3A_0 = arith.constant 0 : index
    %get3A_1 = vector.load %arg1[%get3A, %get3A_0] : memref<2000x128xf32, #tpu.memory_space<vmem>>, vector<2000x128xf32>
    %get3A_2 = arith.constant 0 : index
    %get3A_3 = arith.constant 0 : index
    %get3A_4 = vector.load %arg2[%get3A_2, %get3A_3] : memref<128x32xf32, #tpu.memory_space<vmem>>, vector<128x32xf32>
    %dot_general3A = arith.constant dense<0.000000e+00> : vector<2000x32xf32>
    %dot_general3A_5 = tpu.matmul %get3A_1, %get3A_4, %dot_general3A {dimension_numbers = #tpu.dot_dimension_numbers<[1], [0], [0], [1], [0, 0, 1, 1], [], []>, transpose_lhs_hint = false} : vector<2000x128xf32>, vector<128x32xf32>, vector<2000x32xf32> -> vector<2000x32xf32>
    %get3A_6 = arith.constant 0 : index
    %get3A_7 = arith.constant 0 : index
    %get3A_8 = vector.load %arg3[%get3A_6, %get3A_7] : memref<1x32xf32, #tpu.memory_space<vmem>>, vector<1x32xf32>
    %add3A = vector.broadcast %get3A_8 : vector<1x32xf32> to vector<2000x32xf32>
    %add3A_9 = arith.addf %dot_general3A_5, %add3A : vector<2000x32xf32>
    %reduce_sum3A = arith.constant dense<0.000000e+00> : vector<2000xf32>
    %reduce_sum3A_10 = vector.multi_reduction <add>, %add3A_9, %reduce_sum3A [1] : vector<2000x32xf32> to vector<2000xf32>
    %broadcast_in_dim3A = vector.shape_cast %reduce_sum3A_10 : vector<2000xf32> to vector<2000x1xf32>
    %div3A = arith.constant 3.200000e+01 : f32
    %div3A_11 = vector.broadcast %div3A : f32 to vector<2000x1xf32>
    %div3A_12 = arith.divf %broadcast_in_dim3A, %div3A_11 : vector<2000x1xf32>
    %sub3A = vector.broadcast %div3A_12 : vector<2000x1xf32> to vector<2000x32xf32>
    %sub3A_13 = arith.subf %add3A_9, %sub3A : vector<2000x32xf32>
    %integer_pow3A = arith.mulf %sub3A_13, %sub3A_13 : vector<2000x32xf32>
    %reduce_sum3A_14 = arith.constant dense<0.000000e+00> : vector<2000xf32>
    %reduce_sum3A_15 = vector.multi_reduction <add>, %integer_pow3A, %reduce_sum3A_14 [1] : vector<2000x32xf32> to vector<2000xf32>
    %broadcast_in_dim3A_16 = vector.shape_cast %reduce_sum3A_15 : vector<2000xf32> to vector<2000x1xf32>
    %div3A_17 = arith.constant 3.200000e+01 : f32
    %div3A_18 = vector.broadcast %div3A_17 : f32 to vector<2000x1xf32>
    %div3A_19 = arith.divf %broadcast_in_dim3A_16, %div3A_18 : vector<2000x1xf32>
    %sub3A_20 = vector.broadcast %div3A_12 : vector<2000x1xf32> to vector<2000x32xf32>
    %sub3A_21 = arith.subf %add3A_9, %sub3A_20 : vector<2000x32xf32>
    %add3A_22 = arith.constant 9.99999974E-6 : f32
    %add3A_23 = vector.broadcast %add3A_22 : f32 to vector<2000x1xf32>
    %add3A_24 = arith.addf %div3A_19, %add3A_23 : vector<2000x1xf32>
    %sqrt3A = math.sqrt %add3A_24 : vector<2000x1xf32>
    %div3A_25 = vector.broadcast %sqrt3A : vector<2000x1xf32> to vector<2000x32xf32>
    %div3A_26 = arith.divf %sub3A_21, %div3A_25 : vector<2000x32xf32>
    %get3A_27 = arith.constant 0 : index
    %get3A_28 = arith.constant 0 : index
    %get3A_29 = vector.load %arg4[%get3A_27, %get3A_28] : memref<1x32xf32, #tpu.memory_space<vmem>>, vector<1x32xf32>
    %mul3A = vector.broadcast %get3A_29 : vector<1x32xf32> to vector<2000x32xf32>
    %mul3A_30 = arith.mulf %div3A_26, %mul3A : vector<2000x32xf32>
    %get3A_31 = arith.constant 0 : index
    %get3A_32 = arith.constant 0 : index
    %get3A_33 = vector.load %arg5[%get3A_31, %get3A_32] : memref<1x32xf32, #tpu.memory_space<vmem>>, vector<1x32xf32>
    %add3A_34 = vector.broadcast %get3A_33 : vector<1x32xf32> to vector<2000x32xf32>
    %add3A_35 = arith.addf %mul3A_30, %add3A_34 : vector<2000x32xf32>
    %max3A = arith.constant 0.000000e+00 : f32
    %max3A_36 = vector.broadcast %max3A : f32 to vector<2000x32xf32>
    %max3A_37 = arith.maximumf %add3A_35, %max3A_36 : vector<2000x32xf32>
    %get3A_38 = arith.constant 0 : index
    %get3A_39 = arith.constant 0 : index
    %get3A_40 = vector.load %arg6[%get3A_38, %get3A_39] : memref<32x32xf32, #tpu.memory_space<vmem>>, vector<32x32xf32>
    %dot_general3A_41 = arith.constant dense<0.000000e+00> : vector<2000x32xf32>
    %dot_general3A_42 = tpu.matmul %max3A_37, %get3A_40, %dot_general3A_41 {dimension_numbers = #tpu.dot_dimension_numbers<[1], [0], [0], [1], [0, 0, 1, 1], [], []>, transpose_lhs_hint = false} : vector<2000x32xf32>, vector<32x32xf32>, vector<2000x32xf32> -> vector<2000x32xf32>
    %get3A_43 = arith.constant 0 : index
    %get3A_44 = arith.constant 0 : index
    %get3A_45 = vector.load %arg7[%get3A_43, %get3A_44] : memref<1x32xf32, #tpu.memory_space<vmem>>, vector<1x32xf32>
    %add3A_46 = vector.broadcast %get3A_45 : vector<1x32xf32> to vector<2000x32xf32>
    %add3A_47 = arith.addf %dot_general3A_42, %add3A_46 : vector<2000x32xf32>
    %reduce_sum3A_48 = arith.constant dense<0.000000e+00> : vector<2000xf32>
    %reduce_sum3A_49 = vector.multi_reduction <add>, %add3A_47, %reduce_sum3A_48 [1] : vector<2000x32xf32> to vector<2000xf32>
    %broadcast_in_dim3A_50 = vector.shape_cast %reduce_sum3A_49 : vector<2000xf32> to vector<2000x1xf32>
    %div3A_51 = arith.constant 3.200000e+01 : f32
    %div3A_52 = vector.broadcast %div3A_51 : f32 to vector<2000x1xf32>
    %div3A_53 = arith.divf %broadcast_in_dim3A_50, %div3A_52 : vector<2000x1xf32>
    %sub3A_54 = vector.broadcast %div3A_53 : vector<2000x1xf32> to vector<2000x32xf32>
    %sub3A_55 = arith.subf %add3A_47, %sub3A_54 : vector<2000x32xf32>
    %integer_pow3A_56 = arith.mulf %sub3A_55, %sub3A_55 : vector<2000x32xf32>
    %reduce_sum3A_57 = arith.constant dense<0.000000e+00> : vector<2000xf32>
    %reduce_sum3A_58 = vector.multi_reduction <add>, %integer_pow3A_56, %reduce_sum3A_57 [1] : vector<2000x32xf32> to vector<2000xf32>
    %broadcast_in_dim3A_59 = vector.shape_cast %reduce_sum3A_58 : vector<2000xf32> to vector<2000x1xf32>
    %div3A_60 = arith.constant 3.200000e+01 : f32
    %div3A_61 = vector.broadcast %div3A_60 : f32 to vector<2000x1xf32>
    %div3A_62 = arith.divf %broadcast_in_dim3A_59, %div3A_61 : vector<2000x1xf32>
    %sub3A_63 = vector.broadcast %div3A_53 : vector<2000x1xf32> to vector<2000x32xf32>
    %sub3A_64 = arith.subf %add3A_47, %sub3A_63 : vector<2000x32xf32>
    %add3A_65 = arith.constant 9.99999974E-6 : f32
    %add3A_66 = vector.broadcast %add3A_65 : f32 to vector<2000x1xf32>
    %add3A_67 = arith.addf %div3A_62, %add3A_66 : vector<2000x1xf32>
    %sqrt3A_68 = math.sqrt %add3A_67 : vector<2000x1xf32>
    %div3A_69 = vector.broadcast %sqrt3A_68 : vector<2000x1xf32> to vector<2000x32xf32>
    %div3A_70 = arith.divf %sub3A_64, %div3A_69 : vector<2000x32xf32>
    %get3A_71 = arith.constant 0 : index
    %get3A_72 = arith.constant 0 : index
    %get3A_73 = vector.load %arg8[%get3A_71, %get3A_72] : memref<1x32xf32, #tpu.memory_space<vmem>>, vector<1x32xf32>
    %mul3A_74 = vector.broadcast %get3A_73 : vector<1x32xf32> to vector<2000x32xf32>
    %mul3A_75 = arith.mulf %div3A_70, %mul3A_74 : vector<2000x32xf32>
    %get3A_76 = arith.constant 0 : index
    %get3A_77 = arith.constant 0 : index
    %get3A_78 = vector.load %arg9[%get3A_76, %get3A_77] : memref<1x32xf32, #tpu.memory_space<vmem>>, vector<1x32xf32>
    %add3A_79 = vector.broadcast %get3A_78 : vector<1x32xf32> to vector<2000x32xf32>
    %add3A_80 = arith.addf %mul3A_75, %add3A_79 : vector<2000x32xf32>
    %max3A_81 = arith.constant 0.000000e+00 : f32
    %max3A_82 = vector.broadcast %max3A_81 : f32 to vector<2000x32xf32>
    %max3A_83 = arith.maximumf %add3A_80, %max3A_82 : vector<2000x32xf32>
    %swap3A = arith.constant 0 : index
    %swap3A_84 = arith.constant 0 : index
    %swap3A_85 = vector.load %arg10[%swap3A, %swap3A_84] : memref<2000x32xf32, #tpu.memory_space<vmem>>, vector<2000x32xf32>
    tpu.vector_store %arg10[%swap3A, %swap3A_84], %max3A_83 {strides = array<i32>} : memref<2000x32xf32, #tpu.memory_space<vmem>>, vector<2000x32xf32>,
    %convert_element_type3A = arith.truncf %max3A_83 : vector<2000x32xf32> to vector<2000x32xbf16>
    %swap3A_86 = arith.constant 0 : index
    %swap3A_87 = arith.constant 0 : index
    %swap3A_88 = vector.load %arg11[%swap3A_86, %swap3A_87] : memref<2000x32xbf16, #tpu.memory_space<vmem>>, vector<2000x32xbf16>
    tpu.vector_store %arg11[%swap3A_86, %swap3A_87], %convert_element_type3A {strides = array<i32>} : memref<2000x32xbf16, #tpu.memory_space<vmem>>, vector<2000x32xbf16>,
    return
  }
  func.func @transform_0(%arg0: i32) -> (i32, i32) {
    %c0_i32 = arith.constant 0 : i32
    %c0_i32_0 = arith.constant 0 : i32
    return %arg0, %c0_i32 : i32, i32
  }
  func.func @transform_1(%arg0: i32) -> (i32, i32) {
    %c0_i32 = arith.constant 0 : i32
    %c0_i32_0 = arith.constant 0 : i32
    %c0_i32_1 = arith.constant 0 : i32
    return %c0_i32, %c0_i32_0 : i32, i32
  }
  func.func @transform_2(%arg0: i32) -> (i32, i32) {
    %c0_i32 = arith.constant 0 : i32
    %c0_i32_0 = arith.constant 0 : i32
    %c0_i32_1 = arith.constant 0 : i32
    return %c0_i32, %c0_i32_0 : i32, i32
  }
  func.func @transform_3(%arg0: i32) -> (i32, i32) {
    %c0_i32 = arith.constant 0 : i32
    %c0_i32_0 = arith.constant 0 : i32
    %c0_i32_1 = arith.constant 0 : i32
    return %c0_i32, %c0_i32_0 : i32, i32
  }
  func.func @transform_4(%arg0: i32) -> (i32, i32) {
    %c0_i32 = arith.constant 0 : i32
    %c0_i32_0 = arith.constant 0 : i32
    %c0_i32_1 = arith.constant 0 : i32
    return %c0_i32, %c0_i32_0 : i32, i32
  }
  func.func @transform_5(%arg0: i32) -> (i32, i32) {
    %c0_i32 = arith.constant 0 : i32
    %c0_i32_0 = arith.constant 0 : i32
    %c0_i32_1 = arith.constant 0 : i32
    return %c0_i32, %c0_i32_0 : i32, i32
  }
  func.func @transform_6(%arg0: i32) -> (i32, i32) {
    %c0_i32 = arith.constant 0 : i32
    %c0_i32_0 = arith.constant 0 : i32
    %c0_i32_1 = arith.constant 0 : i32
    return %c0_i32, %c0_i32_0 : i32, i32
  }
  func.func @transform_7(%arg0: i32) -> (i32, i32) {
    %c0_i32 = arith.constant 0 : i32
    %c0_i32_0 = arith.constant 0 : i32
    %c0_i32_1 = arith.constant 0 : i32
    return %c0_i32, %c0_i32_0 : i32, i32
  }
  func.func @transform_8(%arg0: i32) -> (i32, i32) {
    %c0_i32 = arith.constant 0 : i32
    %c0_i32_0 = arith.constant 0 : i32
    %c0_i32_1 = arith.constant 0 : i32
    return %c0_i32, %c0_i32_0 : i32, i32
  }
  func.func @transform_9(%arg0: i32) -> (i32, i32) {
    %c0_i32 = arith.constant 0 : i32
    %c0_i32_0 = arith.constant 0 : i32
    return %arg0, %c0_i32 : i32, i32
  }
  func.func @transform_10(%arg0: i32) -> (i32, i32) {
    %c0_i32 = arith.constant 0 : i32
    %c0_i32_0 = arith.constant 0 : i32
    return %arg0, %c0_i32 : i32, i32
  }
}

module attributes {stable_mosaic.version = 14 : i64} {
  func.func @_combine_body(%arg0: i32, %arg1: memref<2000x32xf32, #tpu.memory_space<vmem>>, %arg2: memref<2000x32xbf16, #tpu.memory_space<vmem>>, %arg3: memref<2000x32xbf16, #tpu.memory_space<vmem>>, %arg4: memref<2000x32xf32, #tpu.memory_space<vmem>>) attributes {dimension_semantics = [#tpu.dimension_semantics<arbitrary>], iteration_bounds = array<i64: 50>, scalar_prefetch = 0 : i64, scratch_operands = 0 : i64, tpu.core_type = #tpu.core_type<tc>, window_params = [{transform_indices = @transform_0, window_bounds = array<i64: 2000, 32>}, {transform_indices = @transform_1, window_bounds = array<i64: 2000, 32>}, {transform_indices = @transform_2, window_bounds = array<i64: 2000, 32>}, {transform_indices = @transform_3, window_bounds = array<i64: 2000, 32>}]} {
    %get3A = arith.constant 0 : index
    %get3A_0 = arith.constant 0 : index
    %get3A_1 = vector.load %arg1[%get3A, %get3A_0] : memref<2000x32xf32, #tpu.memory_space<vmem>>, vector<2000x32xf32>
    %get3A_2 = arith.constant 0 : index
    %get3A_3 = arith.constant 0 : index
    %get3A_4 = vector.load %arg2[%get3A_2, %get3A_3] : memref<2000x32xbf16, #tpu.memory_space<vmem>>, vector<2000x32xbf16>
    %convert_element_type3A = arith.extf %get3A_4 : vector<2000x32xbf16> to vector<2000x32xf32>
    %add3A = arith.addf %get3A_1, %convert_element_type3A : vector<2000x32xf32>
    %get3A_5 = arith.constant 0 : index
    %get3A_6 = arith.constant 0 : index
    %get3A_7 = vector.load %arg3[%get3A_5, %get3A_6] : memref<2000x32xbf16, #tpu.memory_space<vmem>>, vector<2000x32xbf16>
    %convert_element_type3A_8 = arith.extf %get3A_7 : vector<2000x32xbf16> to vector<2000x32xf32>
    %add3A_9 = arith.addf %add3A, %convert_element_type3A_8 : vector<2000x32xf32>
    %swap3A = arith.constant 0 : index
    %swap3A_10 = arith.constant 0 : index
    %swap3A_11 = vector.load %arg4[%swap3A, %swap3A_10] : memref<2000x32xf32, #tpu.memory_space<vmem>>, vector<2000x32xf32>
    tpu.vector_store %arg4[%swap3A, %swap3A_10], %add3A_9 {strides = array<i32>} : memref<2000x32xf32, #tpu.memory_space<vmem>>, vector<2000x32xf32>,
    return
  }
  func.func @transform_0(%arg0: i32) -> (i32, i32) {
    %c0_i32 = arith.constant 0 : i32
    %c0_i32_0 = arith.constant 0 : i32
    return %arg0, %c0_i32 : i32, i32
  }
  func.func @transform_1(%arg0: i32) -> (i32, i32) {
    %c0_i32 = arith.constant 0 : i32
    %c0_i32_0 = arith.constant 0 : i32
    return %arg0, %c0_i32 : i32, i32
  }
  func.func @transform_2(%arg0: i32) -> (i32, i32) {
    %c0_i32 = arith.constant 0 : i32
    %c0_i32_0 = arith.constant 0 : i32
    return %arg0, %c0_i32 : i32, i32
  }
  func.func @transform_3(%arg0: i32) -> (i32, i32) {
    %c0_i32 = arith.constant 0 : i32
    %c0_i32_0 = arith.constant 0 : i32
    return %arg0, %c0_i32 : i32, i32
  }
}

</mosaic_0001>

<sc_bundles>
// kernel: kernel.5.cloned.1.call-start
scs
__scs_entry_jumppad:
0x0: {  	(pc) =	sbr.rel $0x88, $3  }
0x1: {  	(tag) =	ssettag $0x0;
	lr =	simm.s32 $0x1  }
0x2: {  	[smem:$0x3F97] =	sst lr;
	_ =	strace $0xD0000000  }
0x3: {  	_ = 	snop  }
0x4: {  	_ = 	snop  }
0x5: {  	_ = 	snop  }
0x6: {  	_ = 	snop  }
0x7: {  	_ = 	snop  }
__scs_overlays_trampoline_lowered:
0x8: {  	[smem:$0x3FA6] =	sst s0  }
0x9: {  	[smem:$0x3FA7] =	sst s1  }
0xa: {  	[smem:$0x3FA8] =	sst s2  }
0xb: {  	[smem:$0x3FA9] =	sst s3  }
0xc: {  	[smem:$0x3FAA] =	sst s4  }
0xd: {  	[smem:$0x3FAB] =	sst s5  }
0xe: {  	[smem:$0x3FAC] =	sst s6  }
0xf: {  	[smem:$0x3FAD] =	sst s7  }
0x10: {  	[smem:$0x3FAE] =	sst s8  }
0x11: {  	[smem:$0x3FAF] =	sst s9;
	s0 =	simm.s32 @!p0 $0x0  }
0x12: {  	s1 =	sld [smem:$0x3F95];
	s0 =	simm.s32 @p0 $0x1  }
0x13: {  	[smem:$0x3FB0] =	sst s0;
	s0 =	simm.s32 @!p1 $0x0  }
0x14: {  	s2 =	sld [smem:$0x3F94];
	s0 =	simm.s32 @p1 $0x1  }
0x15: {  	[smem:$0x3FB1] =	sst s0;
	s0 =	simm.s32 @!p2 $0x0  }
0x16: {  	s3 =	sld [smem:$0x3FDB];
	s0 =	simm.s32 @p2 $0x1  }
0x17: {  	s4 =	simm.s32 $0x1BF5;
	[smem:$0x3FB3] =	sst s0  }
0x18: {  	s0 =	sld [smem:$0x3F96];
	_ =	swait.ge [sflag:s4], $0x0  }
0x19: {  	s7 =	sld [smem:$0x3F97]  }
0x1a: {  	s8 =	sadd.s32 $0xFFFFE003, lr  }
0x1b: {  	s9 =	sadd.s32 $0xFFFFFEF7, lr;
	s5 =	simm.s32 $0xFFFFFFFF;
	p2 =	slt.u32 s8, $0xFFFFF086  }
0x1c: {  	p1 =	slt.u32 s9, $0xF7A;
	s5 =	simm.s32 @!p2 $0x0  }
0x1d: {  	s5 =	simm.s32 @p1 $0x1;
	p0 =	seq.s32 s7, s2  }
0x1e: {  	s7 =	smul.u32 @!p0 $0xF7A, s2;
	p2 =	seq.s32 @!p0 s5, $0x0  }
0x1f: {  	s9 =	smul.u32 $0xF7A, s1;
	s8 =	simm.s32 @!p0 $0x1BF5;
	p2 =	por !p2, p0  }
0x20: {  	[sflag:s8] =	ssyncset.s32 @!p0 $0xFFFFF086;
	s6 =	sadd.s32 @!p0 s3, s7;
	s7 =	simm.s32 @!p0 $0x108  }
0x21: {  	s3 =	sadd.s32 s3, s9;
	s6 =	sadd.s32 @!p0 $0x88, s6;
	s7 =	simm.s32 @p2 $0x1082  }
0x22: {  	[simem:s7], [sflag:s8] =	dma.local @!p0 [hbm:s6], $0xF7A  }
0x23: {  	s9 =	sor.u32 $0xD0000000, s2;
	s6 =	simm.s32 $0x108;
	_ =	swait.ge @!p0 [sflag:s8], $0x0  }
0x24: {  	s3 =	sadd.s32 $0x88, s3;
	s6 =	simm.s32 @!p1 $0x1082;
	[sflag:s4] =	ssyncset.s32 $0xFFFFF086  }
0x25: {  	[simem:s6], [sflag:s4] =	dma.local [hbm:s3], $0xF7A  }
0x26: {  	[smem:$0x3F97] =	sst s1;
	(tag) =	ssettag s2;
	_ =	strace s9  }
0x27: {  	s1 =	sld [smem:$0x3FA7]  }
0x28: {  	s2 =	sld [smem:$0x3FA8]  }
0x29: {  	s4 =	sld [smem:$0x3FAA]  }
0x2a: {  	p0 =	seq.s32 s5, $0x0;
	s5 =	sld [smem:$0x3FAB]  }
0x2b: {  	s6 =	sld [smem:$0x3FAC]  }
0x2c: {  	s7 =	sld [smem:$0x3FAD]  }
0x2d: {  	s3 =	simm.s32 $0x108;
	s8 =	sld [smem:$0x3FAE]  }
0x2e: {  	s3 =	simm.s32 @!p0 $0x1082;
	s9 =	sld [smem:$0x3FAF]  }
0x2f: {  	lr =	sadd.s32 s0, s3;
	s0 =	sld [smem:$0x3FA6]  }
0x30: {  	s3 =	sld [smem:$0x3FA9]  }
0x31: {  	[smem:$0x3FB2] =	sst s10  }
0x32: {  	s10 =	sld [smem:$0x3FB0];
	_ =	sdelay $0x3  }
0x33: {  	p0 =	seq.s32 s10, $0x1;
	s10 =	sld [smem:$0x3FB2];
	_ =	sdelay $0x3  }
0x34: {  	[smem:$0x3FB2] =	sst s10  }
0x35: {  	s10 =	sld [smem:$0x3FB1];
	_ =	sdelay $0x3  }
0x36: {  	p1 =	seq.s32 s10, $0x1;
	s10 =	sld [smem:$0x3FB2];
	_ =	sdelay $0x3  }
0x37: {  	[smem:$0x3FB2] =	sst s10  }
0x38: {  	s10 =	sld [smem:$0x3FB3]  }
0x39: {  	_ = 	snop;
	(pc) =	sbr.ind lr, $3  }
0x3a: {  	_ = 	snop  }
0x3b: {  	_ = 	snop  }
0x3c: {  	p2 =	seq.s32 s10, $0x1;
	s10 =	sld [smem:$0x3FB2]  }
0x3d: {  	_ =	shalt  }
0x3e: {  	_ =	shalt  }
0x3f: {  	_ =	shalt  }
0x40: {  	_ =	shalt  }
0x41: {  	_ =	shalt  }
0x42: {  	_ =	shalt  }
0x43: {  	_ =	shalt  }
0x44: {  	_ =	shalt  }
0x45: {  	_ =	shalt  }
0x46: {  	_ =	shalt  }
0x47: {  	_ =	shalt  }
0x48: {  	_ =	shalt  }
0x49: {  	_ =	shalt  }
0x4a: {  	_ =	shalt  }
0x4b: {  	_ =	shalt  }
0x4c: {  	_ =	shalt  }
0x4d: {  	_ =	shalt  }
0x4e: {  	_ =	shalt  }
0x4f: {  	_ =	shalt  }
0x50: {  	_ =	shalt  }
0x51: {  	_ =	shalt  }
0x52: {  	_ =	shalt  }
0x53: {  	_ =	shalt  }
0x54: {  	_ =	shalt  }
0x55: {  	_ =	shalt  }
0x56: {  	_ =	shalt  }
0x57: {  	_ =	shalt  }
0x58: {  	_ =	shalt  }
0x59: {  	_ =	shalt  }
0x5a: {  	_ =	shalt  }
0x5b: {  	_ =	shalt  }
0x5c: {  	_ =	shalt  }
0x5d: {  	_ =	shalt  }
0x5e: {  	_ =	shalt  }
0x5f: {  	_ =	shalt  }
0x60: {  	_ =	shalt  }
0x61: {  	_ =	shalt  }
0x62: {  	_ =	shalt  }
0x63: {  	_ =	shalt  }
0x64: {  	_ =	shalt  }
0x65: {  	_ =	shalt  }
0x66: {  	_ =	shalt  }
0x67: {  	_ =	shalt  }
0x68: {  	_ =	shalt  }
0x69: {  	_ =	shalt  }
0x6a: {  	_ =	shalt  }
0x6b: {  	_ =	shalt  }
0x6c: {  	_ =	shalt  }
0x6d: {  	_ =	shalt  }
0x6e: {  	_ =	shalt  }
0x6f: {  	_ =	shalt  }
0x70: {  	_ =	shalt  }
0x71: {  	_ =	shalt  }
0x72: {  	_ =	shalt  }
0x73: {  	_ =	shalt  }
0x74: {  	_ =	shalt  }
0x75: {  	_ =	shalt  }
0x76: {  	_ =	shalt  }
0x77: {  	_ =	shalt  }
0x78: {  	_ =	shalt  }
0x79: {  	_ =	shalt  }
0x7a: {  	_ =	shalt  }
0x7b: {  	_ =	shalt  }
0x7c: {  	_ =	shalt  }
0x7d: {  	_ =	shalt  }
0x7e: {  	_ =	shalt  }
0x7f: {  	_ =	shalt  }
0x80: {  	_ =	shalt  }
0x81: {  	_ =	shalt  }
0x82: {  	_ =	shalt  }
0x83: {  	_ =	shalt  }
0x84: {  	_ =	shalt  }
0x85: {  	_ =	shalt  }
0x86: {  	_ =	shalt  }
0x87: {  	_ =	shalt  }
.Lfunc_end0:
.L_simem_size_0:
called_computation_lowered:
.L_overlay_start_0:
0x88: {  	s2 =	sld [smem:$0x3FD9]  }
0x89: {  	s3 =	sld [smem:$0x3FFE];
	_ =	sdelay $0x1  }
0x8a: {  	s1 =	srdreg.scid  }
0x8b: {  	s0 =	sand.u32 $0x1, s1  }
0x8c: {  	s17 =	sshll.u32 s0, $0xA;
	s2 =	sadd.s32 s3, s2  }
0x8d: {  	s2 =	sadd.s32 s2, s17  }
0x8e: {  	[smem:$0x3FBE] =	sst s2  }
0x8f: {  	_ = 	snop  }
0x90: {  	s2 =	sld [smem:$0x3FD0];
	(tm) =	ssettm $0x1  }
0x91: {  	s18 =	sld [smem:$0x3FFB];
	_ =	sdelay $0x3  }
0x92: {  	_ =	strace s18  }
0x93: {  	s3 =	sld [smem:$0x3FFC];
	_ =	sdelay $0x3  }
0x94: {  	_ =	strace s3  }
0x95: {  	s3 =	sld [smem:$0x3FFD];
	_ =	sdelay $0x3  }
0x96: {  	_ =	strace s3  }
0x97: {  	_ =	strace $0x8FFFFFFF  }
0x98: {  	s19 =	sld [smem:$0x3FDB];
	_ =	sdelay $0x1  }
0x99: {  	s4 =	simm.s32 $_scs_section_size  }
0x9a: {  	s5 =	simm.s32 $_size__tile_overlayer_lowered;
	s6 =	simm.s32 $_tile_overlayer_lowered  }
0x9b: {  	s22 =	simm.s32 $0x1BFF;
	s21 =	sshll.u32 s6, $0x1;
	s3 =	sadd.s32 s4, s19  }
0x9c: {  	s7 =	simm.s32 $0x0;
	s20 =	sshll.u32 s5, $0x1;
	s5 =	sadd.s32 s21, s3  }
0x9d: {  	[timem:s7], [sflag:s22] =	dma.local [hbm:s5], s20  }
0x9e: {  	_ =	swait.ge [sflag:s22], s20  }
0x9f: {  	s4 =	ssub.s32 $0x0, s20;
	[sflag:s22] =	ssyncset.done $0x0  }
0xa0: {  	[sflag:s22] =	ssyncadd.s32 s4;
	_ =	sdelay $0x1  }
0xa1: {  	s23 =	simm.s32 $0x1B8B  }
0xa2: {  	_ =	swait.ge [sflag:s23], $0x1  }
0xa3: {  	[sflag:s23] =	ssyncset.done $0x0  }
0xa4: {  	s25 =	simm.s32 $0x1B8E;
	s24 =	sld [smem:$0x3FFE];
	[sflag:s23] =	ssyncadd.s32 $0xFFFFFFFF  }
0xa5: {  	s26 =	simm.s32 $execute0_lowered;
	[smem:$0x3FD2] =	sst s25  }
0xa6: {  	s5 =	sshll.u32 s26, $0x1;
	_ =	strace $0x80000046;
	[dreg:$0x1] =	wrdreg $0xFFFFFFFF  }
0xa7: {  	s28 =	simm.s32 $_size_execute0_lowered;
	s3 =	sadd.s32 s3, s5;
	[dreg:$0x0] =	wrdreg $0x0  }
0xa8: {  	s5 =	sshll.u32 s28, $0x1;
	[dreg:$0x2] =	wrdreg s3  }
0xa9: {  	[dreg:$0x3] =	wrdreg s5  }
0xaa: {  	[dreg:$0x4] =	wrdreg $0xC0  }
0xab: {  	_ =	task [dreg:s7], $0x5FFFF  }
0xac: {  	[dreg:$0x1] =	wrdreg $0xFFFFFFFF  }
0xad: {  	[dreg:$0x0] =	wrdreg $0x60  }
0xae: {  	[dreg:$0x2] =	wrdreg s24  }
0xaf: {  	[dreg:$0x3] =	wrdreg s2  }
0xb0: {  	[dreg:$0x4] =	wrdreg $0x48000  }
0xb1: {  	[dreg:$0x5] =	wrdreg $0x9  }
0xb2: {  	_ =	task.clear_ibuf [dreg:s7], $0x6FFFF;
	_ =	strace $0x90000046  }
0xb3: {  	s29 =	simm.s32 $0x9;
	_ =	strace $0x80000048  }
0xb4: {  	_ =	swait.ge [sflag:s29], $0x1  }
0xb5: {  	[sflag:s29] =	ssyncadd.s32 $0xFFFFFFFF  }
0xb6: {  	_ =	strace $0x90000048  }
0xb7: {  	_ =	sfence  }
0xb8: {  	s30 =	sld [smem:$0x0];
	_ =	sdelay $0x2  }
0xb9: {  	s31 =	sshll.u32 s1, $0xD;
	s1 =	sshrl.u32 s1, $0x2  }
0xba: {  	s3 =	sand.u32 $0x4000, s31;
	s1 =	sadd.s32 s1, s30  }
0xbb: {  	s0 =	sor.u32 s3, s0;
	s1 =	sshll.u32 s1, $0x11  }
0xbc: {  	s0 =	sor.u32 s1, s0  }
0xbd: {  	s0 =	sadd.s32 $0x8F2B, s0  }
0xbe: {  	[sflag:s0] =	ssyncadd.remote.s32 $0x1  }
0xbf: {  	_ =	sfence.sel $0xFFFF  }
0xc0: {  	[dreg:$0x0] =	wrdreg $0xFFFFFFFF;
	(pc) =	sbr.abs _section_cstart, $3  }
0xc1: {  	[dreg:$0x1] =	wrdreg $0xFFFFFFFF  }
0xc2: {  	_ =	task.clear_ibuf [dreg:s7], $0x2FFFF;
	_ =	strace $0x9FFFFFFF  }
0xc3: {  	(tm) =	ssettm $0x7FFFFFFF  }
tec
execute0_lowered:
.L_overlay_start_1:
0x0: {  	(tag) =	ssettag $0x1  }
0x1: {  	s0 =	rddreg [dreg:$0x0]  }
0x2: {  	s12 =	rddreg [dreg:$0x1]  }
0x3: {  	s2 =	rddreg [dreg:$0x2]  }
0x4: {  	s3 =	simm.s32 $0x0;
	s13 =	stileid.u32;
	s1 =	srdreg.scid  }
0x5: {  	s29 =	simm.s32 $0x800;
	s30 =	simm.s32 $0x6;
	s4 =	smul.u32 $0x61A80, s13  }
0x6: {  	s31 =	simm.s32 $0x400;
	s28 =	simm.s32 $0x780;
	s7 =	smul.u32 $0x30D40, s13  }
0x7: {  	[smem:$0x7FF] =	sst s3;
	s5 =	sadd.s32 $0x1200, s0;
	s1 =	sand.u32 $0x1, s1  }
0x8: {  	s6 =	sadd.s32 $0x32000, s0;
	s4 =	sshrl.u32 s4, $0x2;
	s10 =	sshrl.u32 s7, $0x1  }
0x9: {  	_ =	strace $0x80000047;
	s4 =	sadd.s32 s4, s2;
	s21 =	sadd.s32 s10, s2  }
0xa: {  	s8 =	ssub.s32 $0x2, s1;
	s20 =	sadd.s32 $0x2000, s4;
	[dreg:$0x4] =	wrdreg s21  }
0xb: {  	p0 =	seq.s32 s1, $0x1;
	s22 =	sadd.s32 $0x4000, s4;
	[dreg:$0x5] =	wrdreg s20  }
0xc: {  	s16 =	smul.u32 $0xC4000, s1;
	s23 =	sadd.s32 $0x6000, s4;
	[dreg:$0x6] =	wrdreg s22  }
0xd: {  	s1 =	sshll.u32 s1, $0x4;
	s24 =	sadd.s32 $0x8000, s4;
	[dreg:$0x7] =	wrdreg s23  }
0xe: {  	s9 =	sshrl.u32 s8, $0x1;
	s25 =	sadd.s32 $0xA000, s4;
	[dreg:$0x8] =	wrdreg s24  }
0xf: {  	s1 =	sor.u32 s13, s1;
	s26 =	sadd.s32 $0xC000, s4;
	[dreg:$0x9] =	wrdreg s25  }
0x10: {  	s7 =	sshrl.u32 s7, $0x4;
	s10 =	sadd.s32 $0xE000, s4;
	[dreg:$0xa] =	wrdreg s26  }
0x11: {  	s8 =	ssub.s32 s8, s9;
	s11 =	sadd.s32 $0x10000, s4;
	[dreg:$0xb] =	wrdreg s10  }
0x12: {  	s9 =	simm.s32 $0x63000;
	s14 =	sadd.s32 $0x12000, s4;
	[dreg:$0xc] =	wrdreg s11  }
0x13: {  	s1 =	smul.u32 $0x1880, s1;
	s15 =	sadd.s32 $0x14000, s4;
	[dreg:$0xd] =	wrdreg s14  }
0x14: {  	s9 =	simm.s32 @!p0 $0x24B200;
	s17 =	sadd.s32 $0x16000, s4;
	[dreg:$0xe] =	wrdreg s15  }
0x15: {  	s4 =	sadd.s32 $0x18000, s4;
	p0 =	sne.s32 s13, $0x0;
	[dreg:$0xf] =	wrdreg s17  }
0x16: {  	s11 =	smul.u32 $0xC400, s13;
	s0 =	sadd.s32 s9, s0;
	[dreg:$0x10] =	wrdreg s4  }
0x17: {  	s20 =	sadd.s32 s12, s1;
	s1 =	sadd.s32 s6, s1;
	s22 =	smax.u32 s8, $0x1  }
0x18: {  	s24 =	sadd.s32 $0x186A00, s2;
	s4 =	simm.s32 $0x80;
	s9 =	simm.s32 $0x1000  }
0x19: {  	s13 =	simm.s32 $0x2000;
	s14 =	simm.s32 $0x3;
	[dreg:$0x12] =	wrdreg s20  }
0x1a: {  	s17 =	simm.s32 $0x200;
	s8 =	simm.s32 $0x280;
	[dreg:$0x13] =	wrdreg s1  }
0x1b: {  	s10 =	simm.s32 $0x300;
	s0 =	sadd.s32 s0, s7;
	[dreg:$0x14] =	wrdreg s22  }
0x1c: {  	[dreg:$0x16] =	wrdreg s24;
	s20 =	simm.s32 $0x2800;
	s22 =	simm.s32 $0x3000  }
0x1d: {  	s24 =	simm.s32 $0x3800;
	s7 =	simm.s32 $0x4000;
	s1 =	simm.s32 $0x4  }
.Ltmp0:
0x1e: {  	s18 =	sadd.s32 s11, s16;
	[dreg:$0x11] =	wrdreg s0;
	(pc) =	sbr.rel .LBB2_1-.Ltmp0, $4  }
0x1f: {  	s11 =	simm.s32 $0x1800;
	s16 =	simm.s32 $0x0;
	s19 =	sor.u32 $0x200, s18  }
0x20: {  	s23 =	sadd.s32 $0x400, s18;
	s18 =	simm.s32 $0x600;
	s0 =	sshrl.u32 s19, $0x3  }
0x21: {  	[dreg:$0x15] =	wrdreg s23;
	s19 =	simm.s32 $0x2;
	s25 =	sadd.s32 s0, s6  }
0x22: {  	v0 =	vimm.bf16 $0.0e+00;
	s26 =	sadd.s32 s0, s12;
	s0 =	simm.s32 $0x1;
	s12 =	simm.s32 $0x380  }
.LBB2_6:
0x23: {  	s15 =	simm.s32 $0x5  }
0x24: {  	_ =	swait.ge [sflag:s15], $0x800  }
0x25: {  	[sflag:s15] =	ssyncset.done $0x0  }
0x26: {  	[sflag:s15] =	ssyncadd.s32 $0xFFFFF800  }
0x27: {  	_ =	swait.ge [sflag:s15], $0x800  }
0x28: {  	[sflag:s15] =	ssyncset.done $0x0  }
0x29: {  	[sflag:s15] =	ssyncadd.s32 $0xFFFFF800  }
0x2a: {  	_ =	swait.ge [sflag:s15], $0x800  }
0x2b: {  	[sflag:s15] =	ssyncset.done $0x0  }
0x2c: {  	[sflag:s15] =	ssyncadd.s32 $0xFFFFF800  }
0x2d: {  	_ =	swait.ge [sflag:s15], $0x800  }
0x2e: {  	[sflag:s15] =	ssyncset.done $0x0  }
0x2f: {  	[sflag:s15] =	ssyncadd.s32 $0xFFFFF800  }
0x30: {  	s23 =	stileid.u32;
	[bflag:$0x0] =	sbarrier.arrive $0xFFFF  }
0x31: {  	s15 =	sshll.u32 s23, $0x6;
	s21 =	rddreg [dreg:$0x4]  }
0x32: {  	s15 =	sor.u32 $0x1C06, s15;
	s23 =	rddreg [dreg:$0x11];
	s16 =	sshrl.u32 s21, $0x3  }
0x33: {  	[hbm:s23], [sflag:s15] =	dma.local [spmem:s16], $0x30D4  }
0x34: {  	_ =	swait.ge [sflag:s30], $0x30D4  }
0x35: {  	s15 =	rddreg [dreg:$0x17]  }
0x36: {  	s23 =	rddreg [dreg:$0x14];
	s16 =	sadd.s32 $0x1, s15  }
0x37: {  	p1 =	sne.s32 s16, s23  }
.Ltmp1:
0x38: {  	_ = 	snop;
	(pc) =	sbr.rel @!p1 .LBB2_7-.Ltmp1, $3  }
0x39: {  	_ =	sdelay $0x1  }
0x3a: {  	[sflag:s30] =	ssyncset.done $0x0  }
0x3b: {  	[sflag:s30] =	ssyncadd.s32 $0xFFFFCF2C  }
.LBB2_1:
0x3c: {  	[dreg:$0x17] =	wrdreg s16;
	s15 =	simm.s32 $0x40;
	s16 =	simm.s32 $0x0  }
.LBB2_2:
0x3d: {  	p1 =	sne.s32 s15, $0x7FC0;
	[tilespmem:s16+$0x800] =	vst v0;
	s16 =	smov.u32 s15;
	s15 =	sadd.s32 $0x40, s15  }
.Ltmp2:
0x3e: {  	(pc) =	sbr.rel @p1 .LBB2_2-.Ltmp2, $2  }
0x3f: {  	_ =	sdelay $0x2  }
0x40: {  	s16 =	sshra.s32 s16, $0x2  }
0x41: {  	[tilespmem:s16+$0x800] =	vst v0  }
0x42: {  	[spmem:s21] =	stream.linear.scatter [tilespmem:s29], [sflag:$0x6], $0x2000, $0x38;
	[tilespmem:$0x1CEA8] =	vst v63  }
0x43: {  	_ =	swait.ge [sflag:s30], $0x2000  }
0x44: {  	[sflag:s30] =	ssyncset.done $0x0  }
0x45: {  	s15 =	rddreg [dreg:$0x5];
	[sflag:s30] =	ssyncadd.s32 $0xFFFFE000  }
0x46: {  	[spmem:s15] =	stream.linear.scatter [tilespmem:s29], [sflag:$0x6], $0x2000, $0x38;
	[tilespmem:$0x1CEA8] =	vst v63  }
0x47: {  	_ =	swait.ge [sflag:s30], $0x2000  }
0x48: {  	[sflag:s30] =	ssyncset.done $0x0  }
0x49: {  	s23 =	rddreg [dreg:$0x6];
	[sflag:s30] =	ssyncadd.s32 $0xFFFFE000  }
0x4a: {  	[spmem:s23] =	stream.linear.scatter [tilespmem:s29], [sflag:$0x6], $0x2000, $0x38;
	[tilespmem:$0x1CEA8] =	vst v63  }
0x4b: {  	_ =	swait.ge [sflag:s30], $0x2000  }
0x4c: {  	[sflag:s30] =	ssyncset.done $0x0  }
0x4d: {  	s16 =	rddreg [dreg:$0x7];
	[sflag:s30] =	ssyncadd.s32 $0xFFFFE000  }
0x4e: {  	[spmem:s16] =	stream.linear.scatter [tilespmem:s29], [sflag:$0x6], $0x2000, $0x38;
	[tilespmem:$0x1CEA8] =	vst v63  }
0x4f: {  	_ =	swait.ge [sflag:s30], $0x2000  }
0x50: {  	[sflag:s30] =	ssyncset.done $0x0  }
0x51: {  	s21 =	rddreg [dreg:$0x8];
	[sflag:s30] =	ssyncadd.s32 $0xFFFFE000  }
0x52: {  	[spmem:s21] =	stream.linear.scatter [tilespmem:s29], [sflag:$0x6], $0x2000, $0x38;
	[tilespmem:$0x1CEA8] =	vst v63  }
0x53: {  	_ =	swait.ge [sflag:s30], $0x2000  }
0x54: {  	[sflag:s30] =	ssyncset.done $0x0  }
0x55: {  	s23 =	rddreg [dreg:$0x9];
	[sflag:s30] =	ssyncadd.s32 $0xFFFFE000  }
0x56: {  	[spmem:s23] =	stream.linear.scatter [tilespmem:s29], [sflag:$0x6], $0x2000, $0x38;
	[tilespmem:$0x1CEA8] =	vst v63  }
0x57: {  	_ =	swait.ge [sflag:s30], $0x2000  }
0x58: {  	[sflag:s30] =	ssyncset.done $0x0  }
0x59: {  	s16 =	rddreg [dreg:$0xa];
	[sflag:s30] =	ssyncadd.s32 $0xFFFFE000  }
0x5a: {  	[spmem:s16] =	stream.linear.scatter [tilespmem:s29], [sflag:$0x6], $0x2000, $0x38;
	[tilespmem:$0x1CEA8] =	vst v63  }
0x5b: {  	_ =	swait.ge [sflag:s30], $0x2000  }
0x5c: {  	[sflag:s30] =	ssyncset.done $0x0  }
0x5d: {  	s21 =	rddreg [dreg:$0xb];
	[sflag:s30] =	ssyncadd.s32 $0xFFFFE000  }
0x5e: {  	[spmem:s21] =	stream.linear.scatter [tilespmem:s29], [sflag:$0x6], $0x2000, $0x38;
	[tilespmem:$0x1CEA8] =	vst v63  }
0x5f: {  	_ =	swait.ge [sflag:s30], $0x2000  }
0x60: {  	[sflag:s30] =	ssyncset.done $0x0  }
0x61: {  	s23 =	rddreg [dreg:$0xc];
	[sflag:s30] =	ssyncadd.s32 $0xFFFFE000  }
0x62: {  	[spmem:s23] =	stream.linear.scatter [tilespmem:s29], [sflag:$0x6], $0x2000, $0x38;
	[tilespmem:$0x1CEA8] =	vst v63  }
0x63: {  	_ =	swait.ge [sflag:s30], $0x2000  }
0x64: {  	[sflag:s30] =	ssyncset.done $0x0  }
0x65: {  	s16 =	rddreg [dreg:$0xd];
	[sflag:s30] =	ssyncadd.s32 $0xFFFFE000  }
0x66: {  	[spmem:s16] =	stream.linear.scatter [tilespmem:s29], [sflag:$0x6], $0x2000, $0x38;
	[tilespmem:$0x1CEA8] =	vst v63  }
0x67: {  	_ =	swait.ge [sflag:s30], $0x2000  }
0x68: {  	[sflag:s30] =	ssyncset.done $0x0  }
0x69: {  	s21 =	rddreg [dreg:$0xe];
	[sflag:s30] =	ssyncadd.s32 $0xFFFFE000  }
0x6a: {  	[spmem:s21] =	stream.linear.scatter [tilespmem:s29], [sflag:$0x6], $0x2000, $0x38;
	[tilespmem:$0x1CEA8] =	vst v63  }
0x6b: {  	_ =	swait.ge [sflag:s30], $0x2000  }
0x6c: {  	[sflag:s30] =	ssyncset.done $0x0  }
0x6d: {  	s23 =	rddreg [dreg:$0xf];
	[sflag:s30] =	ssyncadd.s32 $0xFFFFE000  }
0x6e: {  	[spmem:s23] =	stream.linear.scatter [tilespmem:s29], [sflag:$0x6], $0x2000, $0x38;
	[tilespmem:$0x1CEA8] =	vst v63  }
0x6f: {  	_ =	swait.ge [sflag:s30], $0x2000  }
0x70: {  	[sflag:s30] =	ssyncset.done $0x0  }
0x71: {  	s16 =	rddreg [dreg:$0x10];
	[sflag:s30] =	ssyncadd.s32 $0xFFFFE000  }
0x72: {  	[spmem:s16] =	stream.linear.scatter [tilespmem:s29], [sflag:$0x6], $0x6A0, $0x38;
	[tilespmem:$0x1CEA8] =	vst v63  }
0x73: {  	_ =	swait.ge [sflag:s30], $0x6A0  }
0x74: {  	[sflag:s30] =	ssyncset.done $0x0  }
0x75: {  	s15 =	simm.s32 @!p0 $0x800;
	s16 =	rddreg [dreg:$0x16];
	[sflag:s30] =	ssyncadd.s32 $0xFFFFF960  }
0x76: {  	[spmem:s16] =	stream.linear.scatter @!p0 [tilespmem:s15], [sflag:$0x6], $0x80, $0x38;
	[tilespmem:$0x1CEA8] =	vst v63  }
0x77: {  	s15 =	simm.s32 @!p0 $0x6  }
0x78: {  	_ =	swait.ge @!p0 [sflag:s15], $0x80  }
0x79: {  	[sflag:s15] =	ssyncset.done @!p0 $0x0  }
0x7a: {  	[sflag:s15] =	ssyncadd.s32 @!p0 $0xFFFFFF80  }
0x7b: {  	[bflag:$0x0] =	sbarrier.arrive $0xFFFF  }
0x7c: {  	s21 =	rddreg [dreg:$0x12]  }
0x7d: {  	s15 =	simm.s32 $0x0;
	s23 =	rddreg [dreg:$0x13]  }
0x7e: {  	[tilespmem:s15], [sflag:$0x1] =	stream.linear.gather [hbm4b:s21+s15], $0x200, $0x38;
	[tilespmem:$0x1CEA8] =	vst v63  }
0x7f: {  	s16 =	rddreg [dreg:$0x15]  }
0x80: {  	[tilespmem:s31], [sflag:$0x1] =	stream.linear.gather [hbm4b:s23+s15], $0x200, $0x38;
	[tilespmem:$0x1CEA8] =	vst v63  }
.LBB2_4:
0x81: {  	_ =	swait.ge [sflag:s0], $0x200  }
0x82: {  	[sflag:s0] =	ssyncset.done $0x0  }
0x83: {  	[sflag:s0] =	ssyncadd.s32 $0xFFFFFE00  }
0x84: {  	_ =	swait.ge [sflag:s0], $0x200  }
0x85: {  	[sflag:s0] =	ssyncset.done $0x0  }
0x86: {  	[sflag:s0] =	ssyncadd.s32 $0xFFFFFE00  }
0x87: {  	[tilespmem:s29], [sflag:$0x3] =	stream.indirect.gather [hbm4b:s5+s4], $0x10, s31, s4, $0xb8;
	[tilespmem:$0x1CEA8] =	vst v63  }
0x88: {  	s21 =	simm.s32 $0x480  }
0x89: {  	[tilespmem:s9], [sflag:$0x3] =	stream.indirect.gather [hbm4b:s5+s4], $0x10, s21, s4, $0xb8;
	[tilespmem:$0x1CEA8] =	vst v63  }
0x8a: {  	s23 =	simm.s32 $0x500  }
0x8b: {  	[tilespmem:s11], [sflag:$0x3] =	stream.indirect.gather [hbm4b:s5+s4], $0x10, s23, s4, $0xb8;
	[tilespmem:$0x1CEA8] =	vst v63  }
0x8c: {  	s23 =	simm.s32 $0x580  }
0x8d: {  	[tilespmem:s13], [sflag:$0x3] =	stream.indirect.gather [hbm4b:s5+s4], $0x10, s23, s4, $0xb8;
	[tilespmem:$0x1CEA8] =	vst v63  }
0x8e: {  	_ =	swait.ge [sflag:s14], $0x800  }
0x8f: {  	[sflag:s14] =	ssyncset.done $0x0  }
0x90: {  	[sflag:s14] =	ssyncadd.s32 $0xFFFFF800  }
0x91: {  	_ =	swait.ge [sflag:s14], $0x800  }
0x92: {  	[sflag:s14] =	ssyncset.done $0x0  }
0x93: {  	[sflag:s14] =	ssyncadd.s32 $0xFFFFF800  }
0x94: {  	_ =	swait.ge [sflag:s14], $0x800  }
0x95: {  	[sflag:s14] =	ssyncset.done $0x0  }
0x96: {  	[sflag:s14] =	ssyncadd.s32 $0xFFFFF800  }
0x97: {  	_ =	swait.ge [sflag:s14], $0x800  }
0x98: {  	p1 =	seq.s32 s15, $0x0;
	[sflag:s14] =	ssyncset.done $0x0  }
0x99: {  	s21 =	simm.s32 @!p1 $0x5;
	[sflag:s14] =	ssyncadd.s32 $0xFFFFF800  }
0x9a: {  	_ =	swait.ge @!p1 [sflag:s21], $0x800  }
0x9b: {  	[sflag:s21] =	ssyncset.done @!p1 $0x0  }
0x9c: {  	[sflag:s21] =	ssyncadd.s32 @!p1 $0xFFFFF800  }
0x9d: {  	_ =	swait.ge @!p1 [sflag:s21], $0x800  }
0x9e: {  	[sflag:s21] =	ssyncset.done @!p1 $0x0  }
0x9f: {  	[sflag:s21] =	ssyncadd.s32 @!p1 $0xFFFFF800  }
0xa0: {  	_ =	swait.ge @!p1 [sflag:s21], $0x800  }
0xa1: {  	[sflag:s21] =	ssyncset.done @!p1 $0x0  }
0xa2: {  	[sflag:s21] =	ssyncadd.s32 @!p1 $0xFFFFF800  }
0xa3: {  	_ =	swait.ge @!p1 [sflag:s21], $0x800  }
0xa4: {  	[sflag:s21] =	ssyncset.done @!p1 $0x0  }
0xa5: {  	[sflag:s21] =	ssyncadd.s32 @!p1 $0xFFFFF800  }
0xa6: {  	[spmem:s2] =	stream.indirect.scatter.add.bf16 [tilespmem:s29], [sflag:$0x4], $0x10, s3, s4, $0xb8;
	[tilespmem:$0x1CEA8] =	vst v63  }
0xa7: {  	_ = 	snop  }
0xa8: {  	[spmem:s2] =	stream.indirect.scatter.add.bf16 [tilespmem:s9], [sflag:$0x4], $0x10, s4, s4, $0xb8;
	[tilespmem:$0x1CEA8] =	vst v63  }
0xa9: {  	s23 =	simm.s32 $0x100  }
0xaa: {  	[spmem:s2] =	stream.indirect.scatter.add.bf16 [tilespmem:s11], [sflag:$0x4], $0x10, s23, s4, $0xb8;
	[tilespmem:$0x1CEA8] =	vst v63  }
0xab: {  	s23 =	simm.s32 $0x180  }
0xac: {  	[spmem:s2] =	stream.indirect.scatter.add.bf16 [tilespmem:s13], [sflag:$0x4], $0x10, s23, s4, $0xb8;
	[tilespmem:$0x1CEA8] =	vst v63  }
0xad: {  	s23 =	sadd.s32 s15, s26  }
0xae: {  	[tilespmem:s17], [sflag:$0x2] =	stream.linear.gather [hbm4b:s23+s3], $0x200, $0x38;
	[tilespmem:$0x1CEA8] =	vst v63  }
0xaf: {  	s23 =	sadd.s32 s15, s25  }
0xb0: {  	[tilespmem:s18], [sflag:$0x2] =	stream.linear.gather [hbm4b:s23+s3], $0x200, $0x38;
	[tilespmem:$0x1CEA8] =	vst v63  }
0xb1: {  	_ =	swait.ge [sflag:s19], $0x200  }
0xb2: {  	[sflag:s19] =	ssyncset.done $0x0  }
0xb3: {  	[sflag:s19] =	ssyncadd.s32 $0xFFFFFE00  }
0xb4: {  	_ =	swait.ge [sflag:s19], $0x200  }
0xb5: {  	[sflag:s19] =	ssyncset.done $0x0  }
0xb6: {  	[sflag:s19] =	ssyncadd.s32 $0xFFFFFE00  }
0xb7: {  	[tilespmem:s20], [sflag:$0x3] =	stream.indirect.gather [hbm4b:s5+s4], $0x10, s18, s4, $0xb8;
	[tilespmem:$0x1CEA8] =	vst v63  }
0xb8: {  	s23 =	simm.s32 $0x680  }
0xb9: {  	[tilespmem:s22], [sflag:$0x3] =	stream.indirect.gather [hbm4b:s5+s4], $0x10, s23, s4, $0xb8;
	[tilespmem:$0x1CEA8] =	vst v63  }
0xba: {  	s23 =	simm.s32 $0x700  }
0xbb: {  	[tilespmem:s24], [sflag:$0x3] =	stream.indirect.gather [hbm4b:s5+s4], $0x10, s23, s4, $0xb8;
	[tilespmem:$0x1CEA8] =	vst v63  }
0xbc: {  	_ = 	snop  }
0xbd: {  	[tilespmem:s7], [sflag:$0x3] =	stream.indirect.gather [hbm4b:s5+s4], $0x10, s28, s4, $0xb8;
	[tilespmem:$0x1CEA8] =	vst v63  }
0xbe: {  	_ =	swait.ge [sflag:s14], $0x800  }
0xbf: {  	[sflag:s14] =	ssyncset.done $0x0  }
0xc0: {  	[sflag:s14] =	ssyncadd.s32 $0xFFFFF800  }
0xc1: {  	_ =	swait.ge [sflag:s14], $0x800  }
0xc2: {  	[sflag:s14] =	ssyncset.done $0x0  }
0xc3: {  	[sflag:s14] =	ssyncadd.s32 $0xFFFFF800  }
0xc4: {  	_ =	swait.ge [sflag:s14], $0x800  }
0xc5: {  	[sflag:s14] =	ssyncset.done $0x0  }
0xc6: {  	[sflag:s14] =	ssyncadd.s32 $0xFFFFF800  }
0xc7: {  	_ =	swait.ge [sflag:s14], $0x800  }
0xc8: {  	[sflag:s14] =	ssyncset.done $0x0  }
0xc9: {  	[sflag:s14] =	ssyncadd.s32 $0xFFFFF800  }
0xca: {  	_ =	swait.ge [sflag:s1], $0x800  }
0xcb: {  	[sflag:s1] =	ssyncset.done $0x0  }
0xcc: {  	[sflag:s1] =	ssyncadd.s32 $0xFFFFF800  }
0xcd: {  	_ =	swait.ge [sflag:s1], $0x800  }
0xce: {  	[sflag:s1] =	ssyncset.done $0x0  }
0xcf: {  	[sflag:s1] =	ssyncadd.s32 $0xFFFFF800  }
0xd0: {  	_ =	swait.ge [sflag:s1], $0x800  }
0xd1: {  	[sflag:s1] =	ssyncset.done $0x0  }
0xd2: {  	[sflag:s1] =	ssyncadd.s32 $0xFFFFF800  }
0xd3: {  	_ =	swait.ge [sflag:s1], $0x800  }
0xd4: {  	[sflag:s1] =	ssyncset.done $0x0  }
0xd5: {  	[sflag:s1] =	ssyncadd.s32 $0xFFFFF800  }
0xd6: {  	[spmem:s2] =	stream.indirect.scatter.add.bf16 [tilespmem:s20], [sflag:$0x5], $0x10, s17, s4, $0xb8;
	[tilespmem:$0x1CEA8] =	vst v63  }
0xd7: {  	p1 =	seq.s32 s15, $0x1800  }
0xd8: {  	[spmem:s2] =	stream.indirect.scatter.add.bf16 [tilespmem:s22], [sflag:$0x5], $0x10, s8, s4, $0xb8;
	[tilespmem:$0x1CEA8] =	vst v63  }
.Ltmp3:
0xd9: {  	_ = 	snop;
	(pc) =	sbr.rel @p1 .LBB2_6-.Ltmp3, $4  }
0xda: {  	_ = 	snop  }
0xdb: {  	[spmem:s2] =	stream.indirect.scatter.add.bf16 [tilespmem:s24], [sflag:$0x5], $0x10, s10, s4, $0xb8;
	[tilespmem:$0x1CEA8] =	vst v63  }
0xdc: {  	_ = 	snop  }
0xdd: {  	[spmem:s2] =	stream.indirect.scatter.add.bf16 [tilespmem:s7], [sflag:$0x5], $0x10, s12, s4, $0xb8;
	[tilespmem:$0x1CEA8] =	vst v63  }
.Ltmp4:
0xde: {  	s21 =	sshrl.u32 s16, $0x3;
	s23 =	rddreg [dreg:$0x1];
	(pc) =	sbr.rel .LBB2_4-.Ltmp4, $4  }
0xdf: {  	s23 =	sadd.s32 s23, s21  }
0xe0: {  	[tilespmem:s3], [sflag:$0x1] =	stream.linear.gather [hbm4b:s23+s3], $0x200, $0x38;
	[tilespmem:$0x1CEA8] =	vst v63  }
0xe1: {  	s16 =	sadd.s32 $0x400, s16;
	s15 =	sadd.s32 $0x80, s15;
	s21 =	sadd.s32 s6, s21  }
0xe2: {  	[tilespmem:s31], [sflag:$0x1] =	stream.linear.gather [hbm4b:s21+s3], $0x200, $0x38;
	[tilespmem:$0x1CEA8] =	vst v63  }
.LBB2_7:
0xe3: {  	_ =	sfence.sel $0x180000  }
0xe4: {  	[bflag:$0x0] =	sbarrier.arrive $0xFFFF  }
0xe5: {  	_ =	strace $0x90000047  }
0xe6: {  	[bflag:$0x2] =	sbarrier.arrive $0xFFFF  }
0xe7: {  	s0 =	rddreg [dreg:$0x3]  }
0xe8: {  	s0 =	sadd.s32 @!p0 $0x100000, s0  }
0xe9: {  	[sflag:s0] =	ssyncadd.tile.s32 @!p0 $0x1;
	_ =	shalt  }
.Lfunc_end2:
_tile_overlayer_lowered:
.L_overlay_start_2:
0xea: {  	(tag) =	ssettag $0x2  }
0xeb: {  	s0 =	rddreg [dreg:$0x0];
	s2 =	stileid.u32  }
0xec: {  	s1 =	rddreg [dreg:$0x1];
	p0 =	sne.s32 s2, $0x0  }
0xed: {  	s3 =	rddreg [dreg:$0x2];
	[bflag:$0x3] =	sbarrier.arrive $0xFFFF;
	s2 =	simm.s32 @!p0 $0x1C06  }
0xee: {  	[timem:s3], [sflag:s2] =	dma.local @!p0 [hbm:s0], s1  }
0xef: {  	s0 =	simm.s32 @!p0 $0x6  }
0xf0: {  	_ =	swait.ge @!p0 [sflag:s0], s1  }
0xf1: {  	s1 =	ssub.s32 @!p0 $0x0, s1;
	[sflag:s0] =	ssyncset.done @!p0 $0x0  }
0xf2: {  	[sflag:s0] =	ssyncadd.s32 @!p0 s1  }
0xf3: {  	[bflag:$0x3] =	sbarrier.arrive $0xFFFF  }
0xf4: {  	_ =	shalt  }

</sc_bundles>
